<compile_context>
chip_gen: v7x
topology: tpu7x:2x2x1
jax: 0.10.2.dev20260603
libtpu: 0.0.44.dev20260713+nightly
codegen_flags: <defaults>
</compile_context>

<pallas_src>
import functools

import jax
import jax.numpy as jnp
from jax import lax
from jax.experimental import pallas as pl
from jax.experimental.pallas import tpu as pltpu
from jax.experimental.pallas import tpu_sc as plsc

LEN_RULES = 100000
NUM_REL_RULES = 50000
BATCH = 16384
HIST = 200

NC, NS, L = 2, 16, 16
NW = NC * NS

G_PAD = 100352
S_CHUNK = G_PAD // NS
S_HALF = S_CHUNK // 2
LAST_OFF = (NS - 1) * S_CHUNK
LAST_N = LEN_RULES - LAST_OFF
ROWS_W = BATCH // NW
GROUPS = ROWS_W // L
NBUF = 3

_mesh = plsc.VectorSubcoreMesh(core_axis_name="c", subcore_axis_name="s")
_params = pltpu.CompilerParams(needs_layout_passes=False,
                               disable_bounds_checks=True)


@functools.partial(
    pl.kernel,
    out_type=jax.ShapeDtypeStruct((BATCH,), jnp.float32),
    mesh=_mesh,
    scratch_types=[
        pltpu.VMEM((G_PAD,), jnp.float32),
        pltpu.VMEM((NBUF * L, HIST), jnp.int32),
        pltpu.VMEM((S_CHUNK,), jnp.int32),
        pltpu.VMEM((S_HALF,), jnp.float32),
        pltpu.VMEM((ROWS_W,), jnp.float32),
        pltpu.VMEM_SHARED((G_PAD,), jnp.float32),
        [pltpu.SemaphoreType.DMA] * NBUF,
    ],
    compiler_params=_params,
)
def _run(rules_hbm, g2l_hbm, table_hbm, out_hbm,
         tab_v, idx_v, g2l_v, fchunk_v, out_v, fused_sh, sems):
    s = lax.axis_index("s")
    w = s * NC + lax.axis_index("c")
    row0 = w * ROWS_W
    iota = lax.iota(jnp.int32, L)
    zeros = jnp.zeros((L,), jnp.int32)

    def blk_src(g):
        return rules_hbm.at[pl.ds(row0 + g * L, L), :]

    def blk_dst(b):
        return idx_v.at[pl.ds(b * L, L), :]

    for b in range(NBUF - 1):
        pltpu.async_copy(blk_src(b), blk_dst(b), sems[b])

    pltpu.sync_copy(table_hbm, tab_v.at[pl.ds(0, NUM_REL_RULES + 1)])

    def fuse_chunk(off, n):
        pltpu.sync_copy(g2l_hbm.at[pl.ds(off, n)], g2l_v.at[pl.ds(0, n)])
        h = n // 2

        for half in range(2):
            def body(i, carry):
                idx = g2l_v[pl.ds(half * h + i * L, L)]
                fchunk_v[pl.ds(i * L, L)] = plsc.load_gather(tab_v, [idx])
                return carry

            lax.fori_loop(0, h // L, body, 0)
            pltpu.sync_copy(fchunk_v.at[pl.ds(0, h)],
                            fused_sh.at[pl.ds(off + half * h, h)])

    @pl.when(s < NS - 1)
    def _():
        fuse_chunk(s * S_CHUNK, S_CHUNK)

    @pl.when(s == NS - 1)
    def _():
        fuse_chunk(LAST_OFF, LAST_N)

    plsc.subcore_barrier()
    pltpu.sync_copy(fused_sh, tab_v)

    UNROLL = 8

    def step(g, buf, queue_ahead):
        pltpu.make_async_copy(blk_src(g), blk_dst(buf), sems[buf]).wait()
        nbuf = (buf + NBUF - 1) % NBUF

        if queue_ahead:
            @pl.when(g + NBUF - 1 < GROUPS)
            def _():
                pltpu.async_copy(blk_src(g + NBUF - 1), blk_dst(nbuf),
                                 sems[nbuf])

        rows = iota + buf * L

        def hist(i, acc):
            l0 = i * UNROLL
            for u in range(UNROLL):
                idx = plsc.load_gather(idx_v, [rows, zeros + (l0 + u)])
                acc = acc + plsc.load_gather(tab_v, [idx])
            return acc

        acc = lax.fori_loop(0, HIST // UNROLL, hist,
                            jnp.zeros((L,), jnp.float32))
        out_v[pl.ds(g * L, L)] = acc

    def ring(i, carry):
        for b in range(NBUF):
            step(i * NBUF + b, b, True)
        return carry

    FULL = (GROUPS // NBUF) * NBUF
    lax.fori_loop(0, GROUPS // NBUF, ring, 0)
    for g in range(FULL, GROUPS):
        step(g, g % NBUF, False)

    pltpu.sync_copy(out_v, out_hbm.at[pl.ds(row0, ROWS_W)])


def kernel(rules, global_to_local, rules_table, bias):
    t_flat = jnp.minimum(rules_table[:, 0], jnp.float32(3.0e38))
    out = _run(rules, global_to_local, t_flat)
    return out.reshape(BATCH, 1) + bias

# --- scband reference (transcript-rebuilt; emitter-appended) ---
"""Pipeline reference for scband-linear-aggregator-26414048871068 (READ-ONLY COPY).

The authoritative reference and input builder live on the scoring server;
editing this copy changes nothing except your own understanding.
"""

import jax, jax.numpy as jnp
import numpy as np

LEN_RULES = 100000          # size of global rule vocabulary (rule_features)
NUM_REL_RULES = 50000       # rules mapped to this relation (rule_map[relation])
PAD = NUM_REL_RULES         # padding_idx of the local embedding table
BATCH = 16384
HIST = 200


def setup_inputs(seed: int = 0) -> dict:
    key = jax.random.key(seed)
    k1, k2, k3 = jax.random.split(key, 3)
    # forward arg: global rule ids, values in [0, LEN_RULES)
    rules = jax.random.randint(k1, (BATCH, HIST), 0, LEN_RULES, dtype=jnp.int32)
    # buffer: global_to_local remap table of size LEN_RULES+1, default PAD
    rng = np.random.default_rng(0)
    rel_ids = np.sort(rng.choice(LEN_RULES, size=NUM_REL_RULES, replace=False))
    g2l = np.full((LEN_RULES + 1,), PAD, dtype=np.int32)
    g2l[rel_ids] = np.arange(NUM_REL_RULES, dtype=np.int32)
    global_to_local = jnp.asarray(g2l)
    # parameter: local rule-confidence embedding table [NUM_REL_RULES+1, 1], pad row = 0
    rules_table = jax.random.normal(k2, (NUM_REL_RULES + 1, 1), dtype=jnp.float32) * 0.1
    rules_table = rules_table.at[PAD].set(0.0)
    # parameter: bias [1, 1]
    bias = jax.random.uniform(k3, (1, 1), minval=-0.01, maxval=0.01, dtype=jnp.float32)
    return {
        "rules": rules,
        "global_to_local": global_to_local,
        "rules_table": rules_table,
        "bias": bias,
    }


def reference(rules, global_to_local, rules_table, bias):
    # local_rules = self.global_to_local[rules.long()]
    local_rules = jnp.take(global_to_local, rules, axis=0)          # [B, L]
    # mask = local_rules == self.pad_local_tok
    mask = local_rules == PAD                                        # [B, L]
    # local_rules = self.rules(local_rules)  (embedding lookup, dim=1)
    emb = jnp.take(rules_table, local_rules, axis=0)                 # [B, L, 1]
    # local_rules.masked_fill_(mask.unsqueeze(dim=2), 0.0)
    emb = jnp.where(mask[..., None], 0.0, emb)
    # sign_constraint=False -> no squaring
    # logits = local_rules.sum(dim=1) + self.bias
    logits = emb.sum(axis=1) + bias                                  # [B, 1]
    return logits

if __name__ == "__main__":
    import jax
    _d = setup_inputs()
    print(jax.jit(kernel)(*tuple(_d.values())))

</pallas_src>

<mosaic_0001>
#map = affine_map<(d0, d1) -> (0, 0)>
#map1 = affine_map<(d0, d1) -> (0)>
module attributes {stable_mosaic.version = 14 : i64} {
  func.func @_run(%arg0: i32, %arg1: i32, %arg2: memref<16384x200xi32, #tpu.memory_space<hbm>>, %arg3: memref<100001xi32, #tpu.memory_space<hbm>>, %arg4: memref<50001xf32, #tpu.memory_space<hbm>>, %arg5: memref<16384xf32, #tpu.memory_space<hbm>>, %arg6: memref<100352xf32, #tpu.memory_space<vmem>>, %arg7: memref<48x200xi32, #tpu.memory_space<vmem>>, %arg8: memref<6272xi32, #tpu.memory_space<vmem>>, %arg9: memref<3136xf32, #tpu.memory_space<vmem>>, %arg10: memref<512xf32, #tpu.memory_space<vmem>>, %arg11: memref<100352xf32, #tpu.memory_space<vmem_shared>>, %arg12: memref<!tpu.dma_semaphore, #tpu.memory_space<semaphore_mem>>, %arg13: memref<!tpu.dma_semaphore, #tpu.memory_space<semaphore_mem>>, %arg14: memref<!tpu.dma_semaphore, #tpu.memory_space<semaphore_mem>>) attributes {dimension_semantics = [#tpu.dimension_semantics<core_parallel>, #tpu.dimension_semantics<subcore_parallel>], iteration_bounds = array<i64: 2, 16>, scalar_prefetch = 0 : i64, scratch_operands = 9 : i64, tpu.core_type = #tpu.core_type<sc_vector_subcore>, window_params = [{transform_indices = #map}, {transform_indices = #map1}, {transform_indices = #map1}, {transform_indices = #map1}]} {
    %mul3A = arith.constant 2 : i32
    %mul3A_0 = arith.muli %arg1, %mul3A : i32
    %add3A = arith.addi %mul3A_0, %arg0 : i32
    %mul3A_1 = arith.constant 512 : i32
    %mul3A_2 = arith.muli %add3A, %mul3A_1 : i32
    %iota3A = tpu.iota {dimensions = array<i32: 0>} : vector<16xi32>
    %broadcast_in_dim3A = arith.constant 0 : i32
    %broadcast_in_dim3A_3 = vector.broadcast %broadcast_in_dim3A : i32 to vector<16xi32>
    %add3A_4 = arith.constant 0 : i32
    %add3A_5 = arith.addi %mul3A_2, %add3A_4 : i32
    %dma_start3A = arith.constant 0 : i32
    %dma_start3A_6 = arith.constant 0 : i32
    %dma_start3A_7 = tpu.memref_slice %arg7[%dma_start3A, %dma_start3A_6] : memref<48x200xi32, #tpu.memory_space<vmem>> -> memref<16x200xi32, #tpu.memory_space<vmem>>
    %dma_start3A_8 = arith.constant 0 : i32
    %dma_start3A_9 = tpu.memref_slice %arg2[%add3A_5, %dma_start3A_8] : memref<16384x200xi32, #tpu.memory_space<hbm>> -> memref<16x200xi32, #tpu.memory_space<hbm>>
    %dma_start3A_10 = arith.constant 0 : i32
    %dma_start3A_11 = arith.constant 0 : i32
    %dma_start3A_12 = tpu.memref_slice %arg7[%dma_start3A_10, %dma_start3A_11] : memref<48x200xi32, #tpu.memory_space<vmem>> -> memref<16x200xi32, #tpu.memory_space<vmem>>
    %dma_start3A_13 = arith.constant 0 : i32
    %dma_start3A_14 = tpu.memref_slice %arg2[%add3A_5, %dma_start3A_13] : memref<16384x200xi32, #tpu.memory_space<hbm>> -> memref<16x200xi32, #tpu.memory_space<hbm>>
    tpu.enqueue_dma source(%dma_start3A_14 : memref<16x200xi32, #tpu.memory_space<hbm>>) target(%dma_start3A_12 : memref<16x200xi32, #tpu.memory_space<vmem>>) target_semaphore(%arg12 : memref<!tpu.dma_semaphore, #tpu.memory_space<semaphore_mem>>)
    %add3A_15 = arith.constant 16 : i32
    %add3A_16 = arith.addi %mul3A_2, %add3A_15 : i32
    %dma_start3A_17 = arith.constant 16 : i32
    %dma_start3A_18 = arith.constant 0 : i32
    %dma_start3A_19 = tpu.memref_slice %arg7[%dma_start3A_17, %dma_start3A_18] : memref<48x200xi32, #tpu.memory_space<vmem>> -> memref<16x200xi32, #tpu.memory_space<vmem>>
    %dma_start3A_20 = arith.constant 0 : i32
    %dma_start3A_21 = tpu.memref_slice %arg2[%add3A_16, %dma_start3A_20] : memref<16384x200xi32, #tpu.memory_space<hbm>> -> memref<16x200xi32, #tpu.memory_space<hbm>>
    %dma_start3A_22 = arith.constant 16 : i32
    %dma_start3A_23 = arith.constant 0 : i32
    %dma_start3A_24 = tpu.memref_slice %arg7[%dma_start3A_22, %dma_start3A_23] : memref<48x200xi32, #tpu.memory_space<vmem>> -> memref<16x200xi32, #tpu.memory_space<vmem>>
    %dma_start3A_25 = arith.constant 0 : i32
    %dma_start3A_26 = tpu.memref_slice %arg2[%add3A_16, %dma_start3A_25] : memref<16384x200xi32, #tpu.memory_space<hbm>> -> memref<16x200xi32, #tpu.memory_space<hbm>>
    tpu.enqueue_dma source(%dma_start3A_26 : memref<16x200xi32, #tpu.memory_space<hbm>>) target(%dma_start3A_24 : memref<16x200xi32, #tpu.memory_space<vmem>>) target_semaphore(%arg13 : memref<!tpu.dma_semaphore, #tpu.memory_space<semaphore_mem>>)
    "tpu.region"() ({
      %run_scoped3A = tpu.sem_alloc : memref<!tpu.dma_semaphore, #tpu.memory_space<semaphore_mem>>
      %dma_start3A_86 = arith.constant 0 : i32
      %dma_start3A_87 = tpu.memref_slice %arg6[%dma_start3A_86] : memref<100352xf32, #tpu.memory_space<vmem>> -> memref<50001xf32, #tpu.memory_space<vmem>>
      %dma_start3A_88 = arith.constant 0 : i32
      %dma_start3A_89 = tpu.memref_slice %arg6[%dma_start3A_88] : memref<100352xf32, #tpu.memory_space<vmem>> -> memref<50001xf32, #tpu.memory_space<vmem>>
      tpu.enqueue_dma source(%arg4 : memref<50001xf32, #tpu.memory_space<hbm>>) target(%dma_start3A_89 : memref<50001xf32, #tpu.memory_space<vmem>>) target_semaphore(%run_scoped3A : memref<!tpu.dma_semaphore, #tpu.memory_space<semaphore_mem>>)
      %dma_wait3A_90 = arith.constant 0 : i32
      %dma_wait3A_91 = tpu.memref_slice %arg6[%dma_wait3A_90] : memref<100352xf32, #tpu.memory_space<vmem>> -> memref<50001xf32, #tpu.memory_space<vmem>>
      %dma_wait3A_92 = arith.constant 0 : i32
      %dma_wait3A_93 = tpu.memref_slice %arg6[%dma_wait3A_92] : memref<100352xf32, #tpu.memory_space<vmem>> -> memref<50001xf32, #tpu.memory_space<vmem>>
      tpu.wait_dma2 semaphore(%run_scoped3A : memref<!tpu.dma_semaphore, #tpu.memory_space<semaphore_mem>>) src(%arg4 : memref<50001xf32, #tpu.memory_space<hbm>>) dst(%dma_wait3A_93 : memref<50001xf32, #tpu.memory_space<vmem>>)
      tpu.yield
    }) : () -> ()
    %lt3A = arith.constant 15 : i32
    %lt3A_27 = arith.cmpi slt, %arg1, %lt3A : i32
    %convert_element_type3A = arith.extui %lt3A_27 : i1 to i32
    %cond3A = arith.constant 0 : i32
    %cond3A_28 = arith.cmpi ne, %convert_element_type3A, %cond3A : i32
    scf.if %cond3A_28 {
      %mul3A_86 = arith.constant 6272 : i32
      %mul3A_87 = arith.muli %arg1, %mul3A_86 : i32
      "tpu.region"() ({
        %run_scoped3A = tpu.sem_alloc : memref<!tpu.dma_semaphore, #tpu.memory_space<semaphore_mem>>
        %dma_start3A_104 = arith.constant 0 : i32
        %dma_start3A_105 = tpu.memref_slice %arg8[%dma_start3A_104] : memref<6272xi32, #tpu.memory_space<vmem>> -> memref<6272xi32, #tpu.memory_space<vmem>>
        %dma_start3A_106 = tpu.memref_slice %arg3[%mul3A_87] : memref<100001xi32, #tpu.memory_space<hbm>> -> memref<6272xi32, #tpu.memory_space<hbm>>
        %dma_start3A_107 = arith.constant 0 : i32
        %dma_start3A_108 = tpu.memref_slice %arg8[%dma_start3A_107] : memref<6272xi32, #tpu.memory_space<vmem>> -> memref<6272xi32, #tpu.memory_space<vmem>>
        %dma_start3A_109 = tpu.memref_slice %arg3[%mul3A_87] : memref<100001xi32, #tpu.memory_space<hbm>> -> memref<6272xi32, #tpu.memory_space<hbm>>
        tpu.enqueue_dma source(%dma_start3A_109 : memref<6272xi32, #tpu.memory_space<hbm>>) target(%dma_start3A_108 : memref<6272xi32, #tpu.memory_space<vmem>>) target_semaphore(%run_scoped3A : memref<!tpu.dma_semaphore, #tpu.memory_space<semaphore_mem>>)
        %dma_wait3A_110 = arith.constant 0 : i32
        %dma_wait3A_111 = tpu.memref_slice %arg8[%dma_wait3A_110] : memref<6272xi32, #tpu.memory_space<vmem>> -> memref<6272xi32, #tpu.memory_space<vmem>>
        %dma_wait3A_112 = tpu.memref_slice %arg3[%mul3A_87] : memref<100001xi32, #tpu.memory_space<hbm>> -> memref<6272xi32, #tpu.memory_space<hbm>>
        %dma_wait3A_113 = arith.constant 0 : i32
        %dma_wait3A_114 = tpu.memref_slice %arg8[%dma_wait3A_113] : memref<6272xi32, #tpu.memory_space<vmem>> -> memref<6272xi32, #tpu.memory_space<vmem>>
        %dma_wait3A_115 = tpu.memref_slice %arg3[%mul3A_87] : memref<100001xi32, #tpu.memory_space<hbm>> -> memref<6272xi32, #tpu.memory_space<hbm>>
        tpu.wait_dma2 semaphore(%run_scoped3A : memref<!tpu.dma_semaphore, #tpu.memory_space<semaphore_mem>>) src(%dma_wait3A_115 : memref<6272xi32, #tpu.memory_space<hbm>>) dst(%dma_wait3A_114 : memref<6272xi32, #tpu.memory_space<vmem>>)
        tpu.yield
      }) : () -> ()
      %scan3A_88 = arith.constant 0 : i32
      %scan3A_89 = arith.constant 0 : i32
      %scan3A_90 = arith.constant 196 : i32
      %scan3A_91 = arith.addi %scan3A_89, %scan3A_90 : i32
      %scan3A_92 = arith.constant 1 : i32
      scf.for %scan3A_104 = %scan3A_89 to %scan3A_91 step %scan3A_92  : i32 {
        %mul3A_105 = arith.constant 16 : i32
        %mul3A_106 = arith.muli %scan3A_104, %mul3A_105 : i32
        %add3A_107 = arith.constant 0 : i32
        %add3A_108 = arith.addi %add3A_107, %mul3A_106 : i32
        %get3A = arith.index_cast %add3A_108 : i32 to index
        %get3A_109 = tpu.vector_load %arg8[%get3A] {strides = array<i32>} : memref<6272xi32, #tpu.memory_space<vmem>>, vector<16xi32>,
        %gather3A = tpu.vector_load_idx %arg6[%get3A_109] : memref<100352xf32, #tpu.memory_space<vmem>>[vector<16xi32>], vector<16xf32>,
        %mul3A_110 = arith.constant 16 : i32
        %mul3A_111 = arith.muli %scan3A_104, %mul3A_110 : i32
        %swap3A_112 = arith.index_cast %mul3A_111 : i32 to index
        %swap3A_113 = tpu.vector_load %arg9[%swap3A_112] {strides = array<i32>} : memref<3136xf32, #tpu.memory_space<vmem>>, vector<16xf32>,
        tpu.vector_store %arg9[%swap3A_112], %gather3A {strides = array<i32>} : memref<3136xf32, #tpu.memory_space<vmem>>, vector<16xf32>,
      }
      %scan3A_93 = arith.constant 196 : i32
      %add3A_94 = arith.constant 0 : i32
      %add3A_95 = arith.addi %mul3A_87, %add3A_94 : i32
      "tpu.region"() ({
        %run_scoped3A = tpu.sem_alloc : memref<!tpu.dma_semaphore, #tpu.memory_space<semaphore_mem>>
        %dma_start3A_104 = arith.constant 0 : i32
        %dma_start3A_105 = tpu.memref_slice %arg9[%dma_start3A_104] : memref<3136xf32, #tpu.memory_space<vmem>> -> memref<3136xf32, #tpu.memory_space<vmem>>
        %dma_start3A_106 = tpu.memref_slice %arg11[%add3A_95] : memref<100352xf32, #tpu.memory_space<vmem_shared>> -> memref<3136xf32, #tpu.memory_space<vmem_shared>>
        %dma_start3A_107 = tpu.memref_slice %arg11[%add3A_95] : memref<100352xf32, #tpu.memory_space<vmem_shared>> -> memref<3136xf32, #tpu.memory_space<vmem_shared>>
        %dma_start3A_108 = arith.constant 0 : i32
        %dma_start3A_109 = tpu.memref_slice %arg9[%dma_start3A_108] : memref<3136xf32, #tpu.memory_space<vmem>> -> memref<3136xf32, #tpu.memory_space<vmem>>
        tpu.enqueue_dma source(%dma_start3A_109 : memref<3136xf32, #tpu.memory_space<vmem>>) target(%dma_start3A_107 : memref<3136xf32, #tpu.memory_space<vmem_shared>>) target_semaphore(%run_scoped3A : memref<!tpu.dma_semaphore, #tpu.memory_space<semaphore_mem>>)
        %dma_wait3A_110 = arith.constant 0 : i32
        %dma_wait3A_111 = tpu.memref_slice %arg9[%dma_wait3A_110] : memref<3136xf32, #tpu.memory_space<vmem>> -> memref<3136xf32, #tpu.memory_space<vmem>>
        %dma_wait3A_112 = tpu.memref_slice %arg11[%add3A_95] : memref<100352xf32, #tpu.memory_space<vmem_shared>> -> memref<3136xf32, #tpu.memory_space<vmem_shared>>
        %dma_wait3A_113 = tpu.memref_slice %arg11[%add3A_95] : memref<100352xf32, #tpu.memory_space<vmem_shared>> -> memref<3136xf32, #tpu.memory_space<vmem_shared>>
        %dma_wait3A_114 = arith.constant 0 : i32
        %dma_wait3A_115 = tpu.memref_slice %arg9[%dma_wait3A_114] : memref<3136xf32, #tpu.memory_space<vmem>> -> memref<3136xf32, #tpu.memory_space<vmem>>
        tpu.wait_dma2 semaphore(%run_scoped3A : memref<!tpu.dma_semaphore, #tpu.memory_space<semaphore_mem>>) src(%dma_wait3A_115 : memref<3136xf32, #tpu.memory_space<vmem>>) dst(%dma_wait3A_113 : memref<3136xf32, #tpu.memory_space<vmem_shared>>)
        tpu.yield
      }) : () -> ()
      %scan3A_96 = arith.constant 0 : i32
      %scan3A_97 = arith.constant 0 : i32
      %scan3A_98 = arith.constant 196 : i32
      %scan3A_99 = arith.addi %scan3A_97, %scan3A_98 : i32
      %scan3A_100 = arith.constant 1 : i32
      scf.for %scan3A_104 = %scan3A_97 to %scan3A_99 step %scan3A_100  : i32 {
        %mul3A_105 = arith.constant 16 : i32
        %mul3A_106 = arith.muli %scan3A_104, %mul3A_105 : i32
        %add3A_107 = arith.constant 3136 : i32
        %add3A_108 = arith.addi %add3A_107, %mul3A_106 : i32
        %get3A = arith.index_cast %add3A_108 : i32 to index
        %get3A_109 = tpu.vector_load %arg8[%get3A] {strides = array<i32>} : memref<6272xi32, #tpu.memory_space<vmem>>, vector<16xi32>,
        %gather3A = tpu.vector_load_idx %arg6[%get3A_109] : memref<100352xf32, #tpu.memory_space<vmem>>[vector<16xi32>], vector<16xf32>,
        %mul3A_110 = arith.constant 16 : i32
        %mul3A_111 = arith.muli %scan3A_104, %mul3A_110 : i32
        %swap3A_112 = arith.index_cast %mul3A_111 : i32 to index
        %swap3A_113 = tpu.vector_load %arg9[%swap3A_112] {strides = array<i32>} : memref<3136xf32, #tpu.memory_space<vmem>>, vector<16xf32>,
        tpu.vector_store %arg9[%swap3A_112], %gather3A {strides = array<i32>} : memref<3136xf32, #tpu.memory_space<vmem>>, vector<16xf32>,
      }
      %scan3A_101 = arith.constant 196 : i32
      %add3A_102 = arith.constant 3136 : i32
      %add3A_103 = arith.addi %mul3A_87, %add3A_102 : i32
      "tpu.region"() ({
        %run_scoped3A = tpu.sem_alloc : memref<!tpu.dma_semaphore, #tpu.memory_space<semaphore_mem>>
        %dma_start3A_104 = arith.constant 0 : i32
        %dma_start3A_105 = tpu.memref_slice %arg9[%dma_start3A_104] : memref<3136xf32, #tpu.memory_space<vmem>> -> memref<3136xf32, #tpu.memory_space<vmem>>
        %dma_start3A_106 = tpu.memref_slice %arg11[%add3A_103] : memref<100352xf32, #tpu.memory_space<vmem_shared>> -> memref<3136xf32, #tpu.memory_space<vmem_shared>>
        %dma_start3A_107 = tpu.memref_slice %arg11[%add3A_103] : memref<100352xf32, #tpu.memory_space<vmem_shared>> -> memref<3136xf32, #tpu.memory_space<vmem_shared>>
        %dma_start3A_108 = arith.constant 0 : i32
        %dma_start3A_109 = tpu.memref_slice %arg9[%dma_start3A_108] : memref<3136xf32, #tpu.memory_space<vmem>> -> memref<3136xf32, #tpu.memory_space<vmem>>
        tpu.enqueue_dma source(%dma_start3A_109 : memref<3136xf32, #tpu.memory_space<vmem>>) target(%dma_start3A_107 : memref<3136xf32, #tpu.memory_space<vmem_shared>>) target_semaphore(%run_scoped3A : memref<!tpu.dma_semaphore, #tpu.memory_space<semaphore_mem>>)
        %dma_wait3A_110 = arith.constant 0 : i32
        %dma_wait3A_111 = tpu.memref_slice %arg9[%dma_wait3A_110] : memref<3136xf32, #tpu.memory_space<vmem>> -> memref<3136xf32, #tpu.memory_space<vmem>>
        %dma_wait3A_112 = tpu.memref_slice %arg11[%add3A_103] : memref<100352xf32, #tpu.memory_space<vmem_shared>> -> memref<3136xf32, #tpu.memory_space<vmem_shared>>
        %dma_wait3A_113 = tpu.memref_slice %arg11[%add3A_103] : memref<100352xf32, #tpu.memory_space<vmem_shared>> -> memref<3136xf32, #tpu.memory_space<vmem_shared>>
        %dma_wait3A_114 = arith.constant 0 : i32
        %dma_wait3A_115 = tpu.memref_slice %arg9[%dma_wait3A_114] : memref<3136xf32, #tpu.memory_space<vmem>> -> memref<3136xf32, #tpu.memory_space<vmem>>
        tpu.wait_dma2 semaphore(%run_scoped3A : memref<!tpu.dma_semaphore, #tpu.memory_space<semaphore_mem>>) src(%dma_wait3A_115 : memref<3136xf32, #tpu.memory_space<vmem>>) dst(%dma_wait3A_113 : memref<3136xf32, #tpu.memory_space<vmem_shared>>)
        tpu.yield
      }) : () -> ()
    } else {
    }
    %eq3A = arith.constant 15 : i32
    %eq3A_29 = arith.cmpi eq, %arg1, %eq3A : i32
    %convert_element_type3A_30 = arith.extui %eq3A_29 : i1 to i32
    %cond3A_31 = arith.constant 0 : i32
    %cond3A_32 = arith.cmpi ne, %convert_element_type3A_30, %cond3A_31 : i32
    scf.if %cond3A_32 {
      "tpu.region"() ({
        %run_scoped3A = tpu.sem_alloc : memref<!tpu.dma_semaphore, #tpu.memory_space<semaphore_mem>>
        %dma_start3A_98 = arith.constant 0 : i32
        %dma_start3A_99 = tpu.memref_slice %arg8[%dma_start3A_98] : memref<6272xi32, #tpu.memory_space<vmem>> -> memref<5920xi32, #tpu.memory_space<vmem>>
        %dma_start3A_100 = arith.constant 94080 : i32
        %dma_start3A_101 = tpu.memref_slice %arg3[%dma_start3A_100] : memref<100001xi32, #tpu.memory_space<hbm>> -> memref<5920xi32, #tpu.memory_space<hbm>>
        %dma_start3A_102 = arith.constant 0 : i32
        %dma_start3A_103 = tpu.memref_slice %arg8[%dma_start3A_102] : memref<6272xi32, #tpu.memory_space<vmem>> -> memref<5920xi32, #tpu.memory_space<vmem>>
        %dma_start3A_104 = arith.constant 94080 : i32
        %dma_start3A_105 = tpu.memref_slice %arg3[%dma_start3A_104] : memref<100001xi32, #tpu.memory_space<hbm>> -> memref<5920xi32, #tpu.memory_space<hbm>>
        tpu.enqueue_dma source(%dma_start3A_105 : memref<5920xi32, #tpu.memory_space<hbm>>) target(%dma_start3A_103 : memref<5920xi32, #tpu.memory_space<vmem>>) target_semaphore(%run_scoped3A : memref<!tpu.dma_semaphore, #tpu.memory_space<semaphore_mem>>)
        %dma_wait3A_106 = arith.constant 0 : i32
        %dma_wait3A_107 = tpu.memref_slice %arg8[%dma_wait3A_106] : memref<6272xi32, #tpu.memory_space<vmem>> -> memref<5920xi32, #tpu.memory_space<vmem>>
        %dma_wait3A_108 = arith.constant 94080 : i32
        %dma_wait3A_109 = tpu.memref_slice %arg3[%dma_wait3A_108] : memref<100001xi32, #tpu.memory_space<hbm>> -> memref<5920xi32, #tpu.memory_space<hbm>>
        %dma_wait3A_110 = arith.constant 0 : i32
        %dma_wait3A_111 = tpu.memref_slice %arg8[%dma_wait3A_110] : memref<6272xi32, #tpu.memory_space<vmem>> -> memref<5920xi32, #tpu.memory_space<vmem>>
        %dma_wait3A_112 = arith.constant 94080 : i32
        %dma_wait3A_113 = tpu.memref_slice %arg3[%dma_wait3A_112] : memref<100001xi32, #tpu.memory_space<hbm>> -> memref<5920xi32, #tpu.memory_space<hbm>>
        tpu.wait_dma2 semaphore(%run_scoped3A : memref<!tpu.dma_semaphore, #tpu.memory_space<semaphore_mem>>) src(%dma_wait3A_113 : memref<5920xi32, #tpu.memory_space<hbm>>) dst(%dma_wait3A_111 : memref<5920xi32, #tpu.memory_space<vmem>>)
        tpu.yield
      }) : () -> ()
      %scan3A_86 = arith.constant 0 : i32
      %scan3A_87 = arith.constant 0 : i32
      %scan3A_88 = arith.constant 185 : i32
      %scan3A_89 = arith.addi %scan3A_87, %scan3A_88 : i32
      %scan3A_90 = arith.constant 1 : i32
      scf.for %scan3A_98 = %scan3A_87 to %scan3A_89 step %scan3A_90  : i32 {
        %mul3A_99 = arith.constant 16 : i32
        %mul3A_100 = arith.muli %scan3A_98, %mul3A_99 : i32
        %add3A_101 = arith.constant 0 : i32
        %add3A_102 = arith.addi %add3A_101, %mul3A_100 : i32
        %get3A = arith.index_cast %add3A_102 : i32 to index
        %get3A_103 = tpu.vector_load %arg8[%get3A] {strides = array<i32>} : memref<6272xi32, #tpu.memory_space<vmem>>, vector<16xi32>,
        %gather3A = tpu.vector_load_idx %arg6[%get3A_103] : memref<100352xf32, #tpu.memory_space<vmem>>[vector<16xi32>], vector<16xf32>,
        %mul3A_104 = arith.constant 16 : i32
        %mul3A_105 = arith.muli %scan3A_98, %mul3A_104 : i32
        %swap3A_106 = arith.index_cast %mul3A_105 : i32 to index
        %swap3A_107 = tpu.vector_load %arg9[%swap3A_106] {strides = array<i32>} : memref<3136xf32, #tpu.memory_space<vmem>>, vector<16xf32>,
        tpu.vector_store %arg9[%swap3A_106], %gather3A {strides = array<i32>} : memref<3136xf32, #tpu.memory_space<vmem>>, vector<16xf32>,
      }
      %scan3A_91 = arith.constant 185 : i32
      "tpu.region"() ({
        %run_scoped3A = tpu.sem_alloc : memref<!tpu.dma_semaphore, #tpu.memory_space<semaphore_mem>>
        %dma_start3A_98 = arith.constant 0 : i32
        %dma_start3A_99 = tpu.memref_slice %arg9[%dma_start3A_98] : memref<3136xf32, #tpu.memory_space<vmem>> -> memref<2960xf32, #tpu.memory_space<vmem>>
        %dma_start3A_100 = arith.constant 94080 : i32
        %dma_start3A_101 = tpu.memref_slice %arg11[%dma_start3A_100] : memref<100352xf32, #tpu.memory_space<vmem_shared>> -> memref<2960xf32, #tpu.memory_space<vmem_shared>>
        %dma_start3A_102 = arith.constant 94080 : i32
        %dma_start3A_103 = tpu.memref_slice %arg11[%dma_start3A_102] : memref<100352xf32, #tpu.memory_space<vmem_shared>> -> memref<2960xf32, #tpu.memory_space<vmem_shared>>
        %dma_start3A_104 = arith.constant 0 : i32
        %dma_start3A_105 = tpu.memref_slice %arg9[%dma_start3A_104] : memref<3136xf32, #tpu.memory_space<vmem>> -> memref<2960xf32, #tpu.memory_space<vmem>>
        tpu.enqueue_dma source(%dma_start3A_105 : memref<2960xf32, #tpu.memory_space<vmem>>) target(%dma_start3A_103 : memref<2960xf32, #tpu.memory_space<vmem_shared>>) target_semaphore(%run_scoped3A : memref<!tpu.dma_semaphore, #tpu.memory_space<semaphore_mem>>)
        %dma_wait3A_106 = arith.constant 0 : i32
        %dma_wait3A_107 = tpu.memref_slice %arg9[%dma_wait3A_106] : memref<3136xf32, #tpu.memory_space<vmem>> -> memref<2960xf32, #tpu.memory_space<vmem>>
        %dma_wait3A_108 = arith.constant 94080 : i32
        %dma_wait3A_109 = tpu.memref_slice %arg11[%dma_wait3A_108] : memref<100352xf32, #tpu.memory_space<vmem_shared>> -> memref<2960xf32, #tpu.memory_space<vmem_shared>>
        %dma_wait3A_110 = arith.constant 94080 : i32
        %dma_wait3A_111 = tpu.memref_slice %arg11[%dma_wait3A_110] : memref<100352xf32, #tpu.memory_space<vmem_shared>> -> memref<2960xf32, #tpu.memory_space<vmem_shared>>
        %dma_wait3A_112 = arith.constant 0 : i32
        %dma_wait3A_113 = tpu.memref_slice %arg9[%dma_wait3A_112] : memref<3136xf32, #tpu.memory_space<vmem>> -> memref<2960xf32, #tpu.memory_space<vmem>>
        tpu.wait_dma2 semaphore(%run_scoped3A : memref<!tpu.dma_semaphore, #tpu.memory_space<semaphore_mem>>) src(%dma_wait3A_113 : memref<2960xf32, #tpu.memory_space<vmem>>) dst(%dma_wait3A_111 : memref<2960xf32, #tpu.memory_space<vmem_shared>>)
        tpu.yield
      }) : () -> ()
      %scan3A_92 = arith.constant 0 : i32
      %scan3A_93 = arith.constant 0 : i32
      %scan3A_94 = arith.constant 185 : i32
      %scan3A_95 = arith.addi %scan3A_93, %scan3A_94 : i32
      %scan3A_96 = arith.constant 1 : i32
      scf.for %scan3A_98 = %scan3A_93 to %scan3A_95 step %scan3A_96  : i32 {
        %mul3A_99 = arith.constant 16 : i32
        %mul3A_100 = arith.muli %scan3A_98, %mul3A_99 : i32
        %add3A_101 = arith.constant 2960 : i32
        %add3A_102 = arith.addi %add3A_101, %mul3A_100 : i32
        %get3A = arith.index_cast %add3A_102 : i32 to index
        %get3A_103 = tpu.vector_load %arg8[%get3A] {strides = array<i32>} : memref<6272xi32, #tpu.memory_space<vmem>>, vector<16xi32>,
        %gather3A = tpu.vector_load_idx %arg6[%get3A_103] : memref<100352xf32, #tpu.memory_space<vmem>>[vector<16xi32>], vector<16xf32>,
        %mul3A_104 = arith.constant 16 : i32
        %mul3A_105 = arith.muli %scan3A_98, %mul3A_104 : i32
        %swap3A_106 = arith.index_cast %mul3A_105 : i32 to index
        %swap3A_107 = tpu.vector_load %arg9[%swap3A_106] {strides = array<i32>} : memref<3136xf32, #tpu.memory_space<vmem>>, vector<16xf32>,
        tpu.vector_store %arg9[%swap3A_106], %gather3A {strides = array<i32>} : memref<3136xf32, #tpu.memory_space<vmem>>, vector<16xf32>,
      }
      %scan3A_97 = arith.constant 185 : i32
      "tpu.region"() ({
        %run_scoped3A = tpu.sem_alloc : memref<!tpu.dma_semaphore, #tpu.memory_space<semaphore_mem>>
        %dma_start3A_98 = arith.constant 0 : i32
        %dma_start3A_99 = tpu.memref_slice %arg9[%dma_start3A_98] : memref<3136xf32, #tpu.memory_space<vmem>> -> memref<2960xf32, #tpu.memory_space<vmem>>
        %dma_start3A_100 = arith.constant 97040 : i32
        %dma_start3A_101 = tpu.memref_slice %arg11[%dma_start3A_100] : memref<100352xf32, #tpu.memory_space<vmem_shared>> -> memref<2960xf32, #tpu.memory_space<vmem_shared>>
        %dma_start3A_102 = arith.constant 97040 : i32
        %dma_start3A_103 = tpu.memref_slice %arg11[%dma_start3A_102] : memref<100352xf32, #tpu.memory_space<vmem_shared>> -> memref<2960xf32, #tpu.memory_space<vmem_shared>>
        %dma_start3A_104 = arith.constant 0 : i32
        %dma_start3A_105 = tpu.memref_slice %arg9[%dma_start3A_104] : memref<3136xf32, #tpu.memory_space<vmem>> -> memref<2960xf32, #tpu.memory_space<vmem>>
        tpu.enqueue_dma source(%dma_start3A_105 : memref<2960xf32, #tpu.memory_space<vmem>>) target(%dma_start3A_103 : memref<2960xf32, #tpu.memory_space<vmem_shared>>) target_semaphore(%run_scoped3A : memref<!tpu.dma_semaphore, #tpu.memory_space<semaphore_mem>>)
        %dma_wait3A_106 = arith.constant 0 : i32
        %dma_wait3A_107 = tpu.memref_slice %arg9[%dma_wait3A_106] : memref<3136xf32, #tpu.memory_space<vmem>> -> memref<2960xf32, #tpu.memory_space<vmem>>
        %dma_wait3A_108 = arith.constant 97040 : i32
        %dma_wait3A_109 = tpu.memref_slice %arg11[%dma_wait3A_108] : memref<100352xf32, #tpu.memory_space<vmem_shared>> -> memref<2960xf32, #tpu.memory_space<vmem_shared>>
        %dma_wait3A_110 = arith.constant 97040 : i32
        %dma_wait3A_111 = tpu.memref_slice %arg11[%dma_wait3A_110] : memref<100352xf32, #tpu.memory_space<vmem_shared>> -> memref<2960xf32, #tpu.memory_space<vmem_shared>>
        %dma_wait3A_112 = arith.constant 0 : i32
        %dma_wait3A_113 = tpu.memref_slice %arg9[%dma_wait3A_112] : memref<3136xf32, #tpu.memory_space<vmem>> -> memref<2960xf32, #tpu.memory_space<vmem>>
        tpu.wait_dma2 semaphore(%run_scoped3A : memref<!tpu.dma_semaphore, #tpu.memory_space<semaphore_mem>>) src(%dma_wait3A_113 : memref<2960xf32, #tpu.memory_space<vmem>>) dst(%dma_wait3A_111 : memref<2960xf32, #tpu.memory_space<vmem_shared>>)
        tpu.yield
      }) : () -> ()
    } else {
    }
    %barrier3A = arith.constant 0 : index
    tpu.barrier barrier_id(%barrier3A)
    "tpu.region"() ({
      %run_scoped3A = tpu.sem_alloc : memref<!tpu.dma_semaphore, #tpu.memory_space<semaphore_mem>>
      tpu.enqueue_dma source(%arg11 : memref<100352xf32, #tpu.memory_space<vmem_shared>>) target(%arg6 : memref<100352xf32, #tpu.memory_space<vmem>>) target_semaphore(%run_scoped3A : memref<!tpu.dma_semaphore, #tpu.memory_space<semaphore_mem>>)
      tpu.wait_dma2 semaphore(%run_scoped3A : memref<!tpu.dma_semaphore, #tpu.memory_space<semaphore_mem>>) src(%arg11 : memref<100352xf32, #tpu.memory_space<vmem_shared>>) dst(%arg6 : memref<100352xf32, #tpu.memory_space<vmem>>)
      tpu.yield
    }) : () -> ()
    %scan3A = arith.constant 0 : i32
    %scan3A_33 = arith.constant 0 : i32
    %scan3A_34 = arith.constant 10 : i32
    %scan3A_35 = arith.addi %scan3A_33, %scan3A_34 : i32
    %scan3A_36 = arith.constant 1 : i32
    scf.for %scan3A_86 = %scan3A_33 to %scan3A_35 step %scan3A_36  : i32 {
      %mul3A_87 = arith.constant 3 : i32
      %mul3A_88 = arith.muli %scan3A_86, %mul3A_87 : i32
      %add3A_89 = arith.constant 0 : i32
      %add3A_90 = arith.addi %mul3A_88, %add3A_89 : i32
      %mul3A_91 = arith.constant 16 : i32
      %mul3A_92 = arith.muli %add3A_90, %mul3A_91 : i32
      %add3A_93 = arith.addi %mul3A_2, %mul3A_92 : i32
      %dma_wait3A_94 = arith.constant 0 : i32
      %dma_wait3A_95 = arith.constant 0 : i32
      %dma_wait3A_96 = tpu.memref_slice %arg7[%dma_wait3A_94, %dma_wait3A_95] : memref<48x200xi32, #tpu.memory_space<vmem>> -> memref<16x200xi32, #tpu.memory_space<vmem>>
      %dma_wait3A_97 = arith.constant 0 : i32
      %dma_wait3A_98 = tpu.memref_slice %arg2[%add3A_93, %dma_wait3A_97] : memref<16384x200xi32, #tpu.memory_space<hbm>> -> memref<16x200xi32, #tpu.memory_space<hbm>>
      %dma_wait3A_99 = arith.constant 0 : i32
      %dma_wait3A_100 = arith.constant 0 : i32
      %dma_wait3A_101 = tpu.memref_slice %arg7[%dma_wait3A_99, %dma_wait3A_100] : memref<48x200xi32, #tpu.memory_space<vmem>> -> memref<16x200xi32, #tpu.memory_space<vmem>>
      %dma_wait3A_102 = arith.constant 0 : i32
      %dma_wait3A_103 = tpu.memref_slice %arg2[%add3A_93, %dma_wait3A_102] : memref<16384x200xi32, #tpu.memory_space<hbm>> -> memref<16x200xi32, #tpu.memory_space<hbm>>
      tpu.wait_dma2 semaphore(%arg12 : memref<!tpu.dma_semaphore, #tpu.memory_space<semaphore_mem>>) src(%dma_wait3A_103 : memref<16x200xi32, #tpu.memory_space<hbm>>) dst(%dma_wait3A_101 : memref<16x200xi32, #tpu.memory_space<vmem>>)
      %add3A_104 = arith.constant 3 : i32
      %add3A_105 = arith.addi %add3A_90, %add3A_104 : i32
      %sub3A = arith.constant 1 : i32
      %sub3A_106 = arith.subi %add3A_105, %sub3A : i32
      %lt3A_107 = arith.constant 32 : i32
      %lt3A_108 = arith.cmpi slt, %sub3A_106, %lt3A_107 : i32
      %convert_element_type3A_109 = arith.extui %lt3A_108 : i1 to i32
      %cond3A_110 = arith.constant 0 : i32
      %cond3A_111 = arith.cmpi ne, %convert_element_type3A_109, %cond3A_110 : i32
      scf.if %cond3A_111 {
        %add3A_209 = arith.constant 3 : i32
        %add3A_210 = arith.addi %add3A_90, %add3A_209 : i32
        %sub3A_211 = arith.constant 1 : i32
        %sub3A_212 = arith.subi %add3A_210, %sub3A_211 : i32
        %mul3A_213 = arith.constant 16 : i32
        %mul3A_214 = arith.muli %sub3A_212, %mul3A_213 : i32
        %add3A_215 = arith.addi %mul3A_2, %mul3A_214 : i32
        %dma_start3A_216 = arith.constant 32 : i32
        %dma_start3A_217 = arith.constant 0 : i32
        %dma_start3A_218 = tpu.memref_slice %arg7[%dma_start3A_216, %dma_start3A_217] : memref<48x200xi32, #tpu.memory_space<vmem>> -> memref<16x200xi32, #tpu.memory_space<vmem>>
        %dma_start3A_219 = arith.constant 0 : i32
        %dma_start3A_220 = tpu.memref_slice %arg2[%add3A_215, %dma_start3A_219] : memref<16384x200xi32, #tpu.memory_space<hbm>> -> memref<16x200xi32, #tpu.memory_space<hbm>>
        %dma_start3A_221 = arith.constant 32 : i32
        %dma_start3A_222 = arith.constant 0 : i32
        %dma_start3A_223 = tpu.memref_slice %arg7[%dma_start3A_221, %dma_start3A_222] : memref<48x200xi32, #tpu.memory_space<vmem>> -> memref<16x200xi32, #tpu.memory_space<vmem>>
        %dma_start3A_224 = arith.constant 0 : i32
        %dma_start3A_225 = tpu.memref_slice %arg2[%add3A_215, %dma_start3A_224] : memref<16384x200xi32, #tpu.memory_space<hbm>> -> memref<16x200xi32, #tpu.memory_space<hbm>>
        tpu.enqueue_dma source(%dma_start3A_225 : memref<16x200xi32, #tpu.memory_space<hbm>>) target(%dma_start3A_223 : memref<16x200xi32, #tpu.memory_space<vmem>>) target_semaphore(%arg14 : memref<!tpu.dma_semaphore, #tpu.memory_space<semaphore_mem>>)
      } else {
      }
      %add3A_112 = arith.constant 0 : i32
      %add3A_113 = vector.broadcast %add3A_112 : i32 to vector<16xi32>
      %add3A_114 = arith.addi %iota3A, %add3A_113 : vector<16xi32>
      %broadcast_in_dim3A_115 = arith.constant 0.000000e+00 : f32
      %broadcast_in_dim3A_116 = vector.broadcast %broadcast_in_dim3A_115 : f32 to vector<16xf32>
      %scan3A_117 = arith.constant 0 : i32
      %scan3A_118 = arith.constant 25 : i32
      %scan3A_119 = arith.addi %scan3A_117, %scan3A_118 : i32
      %scan3A_120 = arith.constant 1 : i32
      %scan3A_121 = scf.for %scan3A_209 = %scan3A_117 to %scan3A_119 step %scan3A_120 iter_args(%scan3A_210 = %broadcast_in_dim3A_116) -> (vector<16xf32>)  : i32 {
        %mul3A_211 = arith.constant 8 : i32
        %mul3A_212 = arith.muli %scan3A_209, %mul3A_211 : i32
        %add3A_213 = arith.constant 0 : i32
        %add3A_214 = arith.addi %mul3A_212, %add3A_213 : i32
        %add3A_215 = vector.broadcast %add3A_214 : i32 to vector<16xi32>
        %add3A_216 = arith.addi %broadcast_in_dim3A_3, %add3A_215 : vector<16xi32>
        %gather3A = tpu.vector_load_idx %arg7[%add3A_114, %add3A_216] : memref<48x200xi32, #tpu.memory_space<vmem>>[vector<16xi32>, vector<16xi32>], vector<16xi32>,
        %gather3A_217 = tpu.vector_load_idx %arg6[%gather3A] : memref<100352xf32, #tpu.memory_space<vmem>>[vector<16xi32>], vector<16xf32>,
        %add3A_218 = arith.addf %scan3A_210, %gather3A_217 : vector<16xf32>
        %add3A_219 = arith.constant 1 : i32
        %add3A_220 = arith.addi %mul3A_212, %add3A_219 : i32
        %add3A_221 = vector.broadcast %add3A_220 : i32 to vector<16xi32>
        %add3A_222 = arith.addi %broadcast_in_dim3A_3, %add3A_221 : vector<16xi32>
        %gather3A_223 = tpu.vector_load_idx %arg7[%add3A_114, %add3A_222] : memref<48x200xi32, #tpu.memory_space<vmem>>[vector<16xi32>, vector<16xi32>], vector<16xi32>,
        %gather3A_224 = tpu.vector_load_idx %arg6[%gather3A_223] : memref<100352xf32, #tpu.memory_space<vmem>>[vector<16xi32>], vector<16xf32>,
        %add3A_225 = arith.addf %add3A_218, %gather3A_224 : vector<16xf32>
        %add3A_226 = arith.constant 2 : i32
        %add3A_227 = arith.addi %mul3A_212, %add3A_226 : i32
        %add3A_228 = vector.broadcast %add3A_227 : i32 to vector<16xi32>
        %add3A_229 = arith.addi %broadcast_in_dim3A_3, %add3A_228 : vector<16xi32>
        %gather3A_230 = tpu.vector_load_idx %arg7[%add3A_114, %add3A_229] : memref<48x200xi32, #tpu.memory_space<vmem>>[vector<16xi32>, vector<16xi32>], vector<16xi32>,
        %gather3A_231 = tpu.vector_load_idx %arg6[%gather3A_230] : memref<100352xf32, #tpu.memory_space<vmem>>[vector<16xi32>], vector<16xf32>,
        %add3A_232 = arith.addf %add3A_225, %gather3A_231 : vector<16xf32>
        %add3A_233 = arith.constant 3 : i32
        %add3A_234 = arith.addi %mul3A_212, %add3A_233 : i32
        %add3A_235 = vector.broadcast %add3A_234 : i32 to vector<16xi32>
        %add3A_236 = arith.addi %broadcast_in_dim3A_3, %add3A_235 : vector<16xi32>
        %gather3A_237 = tpu.vector_load_idx %arg7[%add3A_114, %add3A_236] : memref<48x200xi32, #tpu.memory_space<vmem>>[vector<16xi32>, vector<16xi32>], vector<16xi32>,
        %gather3A_238 = tpu.vector_load_idx %arg6[%gather3A_237] : memref<100352xf32, #tpu.memory_space<vmem>>[vector<16xi32>], vector<16xf32>,
        %add3A_239 = arith.addf %add3A_232, %gather3A_238 : vector<16xf32>
        %add3A_240 = arith.constant 4 : i32
        %add3A_241 = arith.addi %mul3A_212, %add3A_240 : i32
        %add3A_242 = vector.broadcast %add3A_241 : i32 to vector<16xi32>
        %add3A_243 = arith.addi %broadcast_in_dim3A_3, %add3A_242 : vector<16xi32>
        %gather3A_244 = tpu.vector_load_idx %arg7[%add3A_114, %add3A_243] : memref<48x200xi32, #tpu.memory_space<vmem>>[vector<16xi32>, vector<16xi32>], vector<16xi32>,
        %gather3A_245 = tpu.vector_load_idx %arg6[%gather3A_244] : memref<100352xf32, #tpu.memory_space<vmem>>[vector<16xi32>], vector<16xf32>,
        %add3A_246 = arith.addf %add3A_239, %gather3A_245 : vector<16xf32>
        %add3A_247 = arith.constant 5 : i32
        %add3A_248 = arith.addi %mul3A_212, %add3A_247 : i32
        %add3A_249 = vector.broadcast %add3A_248 : i32 to vector<16xi32>
        %add3A_250 = arith.addi %broadcast_in_dim3A_3, %add3A_249 : vector<16xi32>
        %gather3A_251 = tpu.vector_load_idx %arg7[%add3A_114, %add3A_250] : memref<48x200xi32, #tpu.memory_space<vmem>>[vector<16xi32>, vector<16xi32>], vector<16xi32>,
        %gather3A_252 = tpu.vector_load_idx %arg6[%gather3A_251] : memref<100352xf32, #tpu.memory_space<vmem>>[vector<16xi32>], vector<16xf32>,
        %add3A_253 = arith.addf %add3A_246, %gather3A_252 : vector<16xf32>
        %add3A_254 = arith.constant 6 : i32
        %add3A_255 = arith.addi %mul3A_212, %add3A_254 : i32
        %add3A_256 = vector.broadcast %add3A_255 : i32 to vector<16xi32>
        %add3A_257 = arith.addi %broadcast_in_dim3A_3, %add3A_256 : vector<16xi32>
        %gather3A_258 = tpu.vector_load_idx %arg7[%add3A_114, %add3A_257] : memref<48x200xi32, #tpu.memory_space<vmem>>[vector<16xi32>, vector<16xi32>], vector<16xi32>,
        %gather3A_259 = tpu.vector_load_idx %arg6[%gather3A_258] : memref<100352xf32, #tpu.memory_space<vmem>>[vector<16xi32>], vector<16xf32>,
        %add3A_260 = arith.addf %add3A_253, %gather3A_259 : vector<16xf32>
        %add3A_261 = arith.constant 7 : i32
        %add3A_262 = arith.addi %mul3A_212, %add3A_261 : i32
        %add3A_263 = vector.broadcast %add3A_262 : i32 to vector<16xi32>
        %add3A_264 = arith.addi %broadcast_in_dim3A_3, %add3A_263 : vector<16xi32>
        %gather3A_265 = tpu.vector_load_idx %arg7[%add3A_114, %add3A_264] : memref<48x200xi32, #tpu.memory_space<vmem>>[vector<16xi32>, vector<16xi32>], vector<16xi32>,
        %gather3A_266 = tpu.vector_load_idx %arg6[%gather3A_265] : memref<100352xf32, #tpu.memory_space<vmem>>[vector<16xi32>], vector<16xf32>,
        %add3A_267 = arith.addf %add3A_260, %gather3A_266 : vector<16xf32>
        scf.yield %add3A_267 : vector<16xf32>
      }
      %scan3A_122 = arith.constant 25 : i32
      %mul3A_123 = arith.constant 16 : i32
      %mul3A_124 = arith.muli %add3A_90, %mul3A_123 : i32
      %swap3A_125 = arith.index_cast %mul3A_124 : i32 to index
      %swap3A_126 = tpu.vector_load %arg10[%swap3A_125] {strides = array<i32>} : memref<512xf32, #tpu.memory_space<vmem>>, vector<16xf32>,
      tpu.vector_store %arg10[%swap3A_125], %scan3A_121 {strides = array<i32>} : memref<512xf32, #tpu.memory_space<vmem>>, vector<16xf32>,
      %mul3A_127 = arith.constant 3 : i32
      %mul3A_128 = arith.muli %scan3A_86, %mul3A_127 : i32
      %add3A_129 = arith.constant 1 : i32
      %add3A_130 = arith.addi %mul3A_128, %add3A_129 : i32
      %mul3A_131 = arith.constant 16 : i32
      %mul3A_132 = arith.muli %add3A_130, %mul3A_131 : i32
      %add3A_133 = arith.addi %mul3A_2, %mul3A_132 : i32
      %dma_wait3A_134 = arith.constant 16 : i32
      %dma_wait3A_135 = arith.constant 0 : i32
      %dma_wait3A_136 = tpu.memref_slice %arg7[%dma_wait3A_134, %dma_wait3A_135] : memref<48x200xi32, #tpu.memory_space<vmem>> -> memref<16x200xi32, #tpu.memory_space<vmem>>
      %dma_wait3A_137 = arith.constant 0 : i32
      %dma_wait3A_138 = tpu.memref_slice %arg2[%add3A_133, %dma_wait3A_137] : memref<16384x200xi32, #tpu.memory_space<hbm>> -> memref<16x200xi32, #tpu.memory_space<hbm>>
      %dma_wait3A_139 = arith.constant 16 : i32
      %dma_wait3A_140 = arith.constant 0 : i32
      %dma_wait3A_141 = tpu.memref_slice %arg7[%dma_wait3A_139, %dma_wait3A_140] : memref<48x200xi32, #tpu.memory_space<vmem>> -> memref<16x200xi32, #tpu.memory_space<vmem>>
      %dma_wait3A_142 = arith.constant 0 : i32
      %dma_wait3A_143 = tpu.memref_slice %arg2[%add3A_133, %dma_wait3A_142] : memref<16384x200xi32, #tpu.memory_space<hbm>> -> memref<16x200xi32, #tpu.memory_space<hbm>>
      tpu.wait_dma2 semaphore(%arg13 : memref<!tpu.dma_semaphore, #tpu.memory_space<semaphore_mem>>) src(%dma_wait3A_143 : memref<16x200xi32, #tpu.memory_space<hbm>>) dst(%dma_wait3A_141 : memref<16x200xi32, #tpu.memory_space<vmem>>)
      %add3A_144 = arith.constant 3 : i32
      %add3A_145 = arith.addi %add3A_130, %add3A_144 : i32
      %sub3A_146 = arith.constant 1 : i32
      %sub3A_147 = arith.subi %add3A_145, %sub3A_146 : i32
      %lt3A_148 = arith.constant 32 : i32
      %lt3A_149 = arith.cmpi slt, %sub3A_147, %lt3A_148 : i32
      %convert_element_type3A_150 = arith.extui %lt3A_149 : i1 to i32
      %cond3A_151 = arith.constant 0 : i32
      %cond3A_152 = arith.cmpi ne, %convert_element_type3A_150, %cond3A_151 : i32
      scf.if %cond3A_152 {
        %add3A_209 = arith.constant 3 : i32
        %add3A_210 = arith.addi %add3A_130, %add3A_209 : i32
        %sub3A_211 = arith.constant 1 : i32
        %sub3A_212 = arith.subi %add3A_210, %sub3A_211 : i32
        %mul3A_213 = arith.constant 16 : i32
        %mul3A_214 = arith.muli %sub3A_212, %mul3A_213 : i32
        %add3A_215 = arith.addi %mul3A_2, %mul3A_214 : i32
        %dma_start3A_216 = arith.constant 0 : i32
        %dma_start3A_217 = arith.constant 0 : i32
        %dma_start3A_218 = tpu.memref_slice %arg7[%dma_start3A_216, %dma_start3A_217] : memref<48x200xi32, #tpu.memory_space<vmem>> -> memref<16x200xi32, #tpu.memory_space<vmem>>
        %dma_start3A_219 = arith.constant 0 : i32
        %dma_start3A_220 = tpu.memref_slice %arg2[%add3A_215, %dma_start3A_219] : memref<16384x200xi32, #tpu.memory_space<hbm>> -> memref<16x200xi32, #tpu.memory_space<hbm>>
        %dma_start3A_221 = arith.constant 0 : i32
        %dma_start3A_222 = arith.constant 0 : i32
        %dma_start3A_223 = tpu.memref_slice %arg7[%dma_start3A_221, %dma_start3A_222] : memref<48x200xi32, #tpu.memory_space<vmem>> -> memref<16x200xi32, #tpu.memory_space<vmem>>
        %dma_start3A_224 = arith.constant 0 : i32
        %dma_start3A_225 = tpu.memref_slice %arg2[%add3A_215, %dma_start3A_224] : memref<16384x200xi32, #tpu.memory_space<hbm>> -> memref<16x200xi32, #tpu.memory_space<hbm>>
        tpu.enqueue_dma source(%dma_start3A_225 : memref<16x200xi32, #tpu.memory_space<hbm>>) target(%dma_start3A_223 : memref<16x200xi32, #tpu.memory_space<vmem>>) target_semaphore(%arg12 : memref<!tpu.dma_semaphore, #tpu.memory_space<semaphore_mem>>)
      } else {
      }
      %add3A_153 = arith.constant 16 : i32
      %add3A_154 = vector.broadcast %add3A_153 : i32 to vector<16xi32>
      %add3A_155 = arith.addi %iota3A, %add3A_154 : vector<16xi32>
      %broadcast_in_dim3A_156 = arith.constant 0.000000e+00 : f32
      %broadcast_in_dim3A_157 = vector.broadcast %broadcast_in_dim3A_156 : f32 to vector<16xf32>
      %scan3A_158 = arith.constant 0 : i32
      %scan3A_159 = arith.constant 25 : i32
      %scan3A_160 = arith.addi %scan3A_158, %scan3A_159 : i32
      %scan3A_161 = arith.constant 1 : i32
      %scan3A_162 = scf.for %scan3A_209 = %scan3A_158 to %scan3A_160 step %scan3A_161 iter_args(%scan3A_210 = %broadcast_in_dim3A_157) -> (vector<16xf32>)  : i32 {
        %mul3A_211 = arith.constant 8 : i32
        %mul3A_212 = arith.muli %scan3A_209, %mul3A_211 : i32
        %add3A_213 = arith.constant 0 : i32
        %add3A_214 = arith.addi %mul3A_212, %add3A_213 : i32
        %add3A_215 = vector.broadcast %add3A_214 : i32 to vector<16xi32>
        %add3A_216 = arith.addi %broadcast_in_dim3A_3, %add3A_215 : vector<16xi32>
        %gather3A = tpu.vector_load_idx %arg7[%add3A_155, %add3A_216] : memref<48x200xi32, #tpu.memory_space<vmem>>[vector<16xi32>, vector<16xi32>], vector<16xi32>,
        %gather3A_217 = tpu.vector_load_idx %arg6[%gather3A] : memref<100352xf32, #tpu.memory_space<vmem>>[vector<16xi32>], vector<16xf32>,
        %add3A_218 = arith.addf %scan3A_210, %gather3A_217 : vector<16xf32>
        %add3A_219 = arith.constant 1 : i32
        %add3A_220 = arith.addi %mul3A_212, %add3A_219 : i32
        %add3A_221 = vector.broadcast %add3A_220 : i32 to vector<16xi32>
        %add3A_222 = arith.addi %broadcast_in_dim3A_3, %add3A_221 : vector<16xi32>
        %gather3A_223 = tpu.vector_load_idx %arg7[%add3A_155, %add3A_222] : memref<48x200xi32, #tpu.memory_space<vmem>>[vector<16xi32>, vector<16xi32>], vector<16xi32>,
        %gather3A_224 = tpu.vector_load_idx %arg6[%gather3A_223] : memref<100352xf32, #tpu.memory_space<vmem>>[vector<16xi32>], vector<16xf32>,
        %add3A_225 = arith.addf %add3A_218, %gather3A_224 : vector<16xf32>
        %add3A_226 = arith.constant 2 : i32
        %add3A_227 = arith.addi %mul3A_212, %add3A_226 : i32
        %add3A_228 = vector.broadcast %add3A_227 : i32 to vector<16xi32>
        %add3A_229 = arith.addi %broadcast_in_dim3A_3, %add3A_228 : vector<16xi32>
        %gather3A_230 = tpu.vector_load_idx %arg7[%add3A_155, %add3A_229] : memref<48x200xi32, #tpu.memory_space<vmem>>[vector<16xi32>, vector<16xi32>], vector<16xi32>,
        %gather3A_231 = tpu.vector_load_idx %arg6[%gather3A_230] : memref<100352xf32, #tpu.memory_space<vmem>>[vector<16xi32>], vector<16xf32>,
        %add3A_232 = arith.addf %add3A_225, %gather3A_231 : vector<16xf32>
        %add3A_233 = arith.constant 3 : i32
        %add3A_234 = arith.addi %mul3A_212, %add3A_233 : i32
        %add3A_235 = vector.broadcast %add3A_234 : i32 to vector<16xi32>
        %add3A_236 = arith.addi %broadcast_in_dim3A_3, %add3A_235 : vector<16xi32>
        %gather3A_237 = tpu.vector_load_idx %arg7[%add3A_155, %add3A_236] : memref<48x200xi32, #tpu.memory_space<vmem>>[vector<16xi32>, vector<16xi32>], vector<16xi32>,
        %gather3A_238 = tpu.vector_load_idx %arg6[%gather3A_237] : memref<100352xf32, #tpu.memory_space<vmem>>[vector<16xi32>], vector<16xf32>,
        %add3A_239 = arith.addf %add3A_232, %gather3A_238 : vector<16xf32>
        %add3A_240 = arith.constant 4 : i32
        %add3A_241 = arith.addi %mul3A_212, %add3A_240 : i32
        %add3A_242 = vector.broadcast %add3A_241 : i32 to vector<16xi32>
        %add3A_243 = arith.addi %broadcast_in_dim3A_3, %add3A_242 : vector<16xi32>
        %gather3A_244 = tpu.vector_load_idx %arg7[%add3A_155, %add3A_243] : memref<48x200xi32, #tpu.memory_space<vmem>>[vector<16xi32>, vector<16xi32>], vector<16xi32>,
        %gather3A_245 = tpu.vector_load_idx %arg6[%gather3A_244] : memref<100352xf32, #tpu.memory_space<vmem>>[vector<16xi32>], vector<16xf32>,
        %add3A_246 = arith.addf %add3A_239, %gather3A_245 : vector<16xf32>
        %add3A_247 = arith.constant 5 : i32
        %add3A_248 = arith.addi %mul3A_212, %add3A_247 : i32
        %add3A_249 = vector.broadcast %add3A_248 : i32 to vector<16xi32>
        %add3A_250 = arith.addi %broadcast_in_dim3A_3, %add3A_249 : vector<16xi32>
        %gather3A_251 = tpu.vector_load_idx %arg7[%add3A_155, %add3A_250] : memref<48x200xi32, #tpu.memory_space<vmem>>[vector<16xi32>, vector<16xi32>], vector<16xi32>,
        %gather3A_252 = tpu.vector_load_idx %arg6[%gather3A_251] : memref<100352xf32, #tpu.memory_space<vmem>>[vector<16xi32>], vector<16xf32>,
        %add3A_253 = arith.addf %add3A_246, %gather3A_252 : vector<16xf32>
        %add3A_254 = arith.constant 6 : i32
        %add3A_255 = arith.addi %mul3A_212, %add3A_254 : i32
        %add3A_256 = vector.broadcast %add3A_255 : i32 to vector<16xi32>
        %add3A_257 = arith.addi %broadcast_in_dim3A_3, %add3A_256 : vector<16xi32>
        %gather3A_258 = tpu.vector_load_idx %arg7[%add3A_155, %add3A_257] : memref<48x200xi32, #tpu.memory_space<vmem>>[vector<16xi32>, vector<16xi32>], vector<16xi32>,
        %gather3A_259 = tpu.vector_load_idx %arg6[%gather3A_258] : memref<100352xf32, #tpu.memory_space<vmem>>[vector<16xi32>], vector<16xf32>,
        %add3A_260 = arith.addf %add3A_253, %gather3A_259 : vector<16xf32>
        %add3A_261 = arith.constant 7 : i32
        %add3A_262 = arith.addi %mul3A_212, %add3A_261 : i32
        %add3A_263 = vector.broadcast %add3A_262 : i32 to vector<16xi32>
        %add3A_264 = arith.addi %broadcast_in_dim3A_3, %add3A_263 : vector<16xi32>
        %gather3A_265 = tpu.vector_load_idx %arg7[%add3A_155, %add3A_264] : memref<48x200xi32, #tpu.memory_space<vmem>>[vector<16xi32>, vector<16xi32>], vector<16xi32>,
        %gather3A_266 = tpu.vector_load_idx %arg6[%gather3A_265] : memref<100352xf32, #tpu.memory_space<vmem>>[vector<16xi32>], vector<16xf32>,
        %add3A_267 = arith.addf %add3A_260, %gather3A_266 : vector<16xf32>
        scf.yield %add3A_267 : vector<16xf32>
      }
      %scan3A_163 = arith.constant 25 : i32
      %mul3A_164 = arith.constant 16 : i32
      %mul3A_165 = arith.muli %add3A_130, %mul3A_164 : i32
      %swap3A_166 = arith.index_cast %mul3A_165 : i32 to index
      %swap3A_167 = tpu.vector_load %arg10[%swap3A_166] {strides = array<i32>} : memref<512xf32, #tpu.memory_space<vmem>>, vector<16xf32>,
      tpu.vector_store %arg10[%swap3A_166], %scan3A_162 {strides = array<i32>} : memref<512xf32, #tpu.memory_space<vmem>>, vector<16xf32>,
      %mul3A_168 = arith.constant 3 : i32
      %mul3A_169 = arith.muli %scan3A_86, %mul3A_168 : i32
      %add3A_170 = arith.constant 2 : i32
      %add3A_171 = arith.addi %mul3A_169, %add3A_170 : i32
      %mul3A_172 = arith.constant 16 : i32
      %mul3A_173 = arith.muli %add3A_171, %mul3A_172 : i32
      %add3A_174 = arith.addi %mul3A_2, %mul3A_173 : i32
      %dma_wait3A_175 = arith.constant 32 : i32
      %dma_wait3A_176 = arith.constant 0 : i32
      %dma_wait3A_177 = tpu.memref_slice %arg7[%dma_wait3A_175, %dma_wait3A_176] : memref<48x200xi32, #tpu.memory_space<vmem>> -> memref<16x200xi32, #tpu.memory_space<vmem>>
      %dma_wait3A_178 = arith.constant 0 : i32
      %dma_wait3A_179 = tpu.memref_slice %arg2[%add3A_174, %dma_wait3A_178] : memref<16384x200xi32, #tpu.memory_space<hbm>> -> memref<16x200xi32, #tpu.memory_space<hbm>>
      %dma_wait3A_180 = arith.constant 32 : i32
      %dma_wait3A_181 = arith.constant 0 : i32
      %dma_wait3A_182 = tpu.memref_slice %arg7[%dma_wait3A_180, %dma_wait3A_181] : memref<48x200xi32, #tpu.memory_space<vmem>> -> memref<16x200xi32, #tpu.memory_space<vmem>>
      %dma_wait3A_183 = arith.constant 0 : i32
      %dma_wait3A_184 = tpu.memref_slice %arg2[%add3A_174, %dma_wait3A_183] : memref<16384x200xi32, #tpu.memory_space<hbm>> -> memref<16x200xi32, #tpu.memory_space<hbm>>
      tpu.wait_dma2 semaphore(%arg14 : memref<!tpu.dma_semaphore, #tpu.memory_space<semaphore_mem>>) src(%dma_wait3A_184 : memref<16x200xi32, #tpu.memory_space<hbm>>) dst(%dma_wait3A_182 : memref<16x200xi32, #tpu.memory_space<vmem>>)
      %add3A_185 = arith.constant 3 : i32
      %add3A_186 = arith.addi %add3A_171, %add3A_185 : i32
      %sub3A_187 = arith.constant 1 : i32
      %sub3A_188 = arith.subi %add3A_186, %sub3A_187 : i32
      %lt3A_189 = arith.constant 32 : i32
      %lt3A_190 = arith.cmpi slt, %sub3A_188, %lt3A_189 : i32
      %convert_element_type3A_191 = arith.extui %lt3A_190 : i1 to i32
      %cond3A_192 = arith.constant 0 : i32
      %cond3A_193 = arith.cmpi ne, %convert_element_type3A_191, %cond3A_192 : i32
      scf.if %cond3A_193 {
        %add3A_209 = arith.constant 3 : i32
        %add3A_210 = arith.addi %add3A_171, %add3A_209 : i32
        %sub3A_211 = arith.constant 1 : i32
        %sub3A_212 = arith.subi %add3A_210, %sub3A_211 : i32
        %mul3A_213 = arith.constant 16 : i32
        %mul3A_214 = arith.muli %sub3A_212, %mul3A_213 : i32
        %add3A_215 = arith.addi %mul3A_2, %mul3A_214 : i32
        %dma_start3A_216 = arith.constant 16 : i32
        %dma_start3A_217 = arith.constant 0 : i32
        %dma_start3A_218 = tpu.memref_slice %arg7[%dma_start3A_216, %dma_start3A_217] : memref<48x200xi32, #tpu.memory_space<vmem>> -> memref<16x200xi32, #tpu.memory_space<vmem>>
        %dma_start3A_219 = arith.constant 0 : i32
        %dma_start3A_220 = tpu.memref_slice %arg2[%add3A_215, %dma_start3A_219] : memref<16384x200xi32, #tpu.memory_space<hbm>> -> memref<16x200xi32, #tpu.memory_space<hbm>>
        %dma_start3A_221 = arith.constant 16 : i32
        %dma_start3A_222 = arith.constant 0 : i32
        %dma_start3A_223 = tpu.memref_slice %arg7[%dma_start3A_221, %dma_start3A_222] : memref<48x200xi32, #tpu.memory_space<vmem>> -> memref<16x200xi32, #tpu.memory_space<vmem>>
        %dma_start3A_224 = arith.constant 0 : i32
        %dma_start3A_225 = tpu.memref_slice %arg2[%add3A_215, %dma_start3A_224] : memref<16384x200xi32, #tpu.memory_space<hbm>> -> memref<16x200xi32, #tpu.memory_space<hbm>>
        tpu.enqueue_dma source(%dma_start3A_225 : memref<16x200xi32, #tpu.memory_space<hbm>>) target(%dma_start3A_223 : memref<16x200xi32, #tpu.memory_space<vmem>>) target_semaphore(%arg13 : memref<!tpu.dma_semaphore, #tpu.memory_space<semaphore_mem>>)
      } else {
      }
      %add3A_194 = arith.constant 32 : i32
      %add3A_195 = vector.broadcast %add3A_194 : i32 to vector<16xi32>
      %add3A_196 = arith.addi %iota3A, %add3A_195 : vector<16xi32>
      %broadcast_in_dim3A_197 = arith.constant 0.000000e+00 : f32
      %broadcast_in_dim3A_198 = vector.broadcast %broadcast_in_dim3A_197 : f32 to vector<16xf32>
      %scan3A_199 = arith.constant 0 : i32
      %scan3A_200 = arith.constant 25 : i32
      %scan3A_201 = arith.addi %scan3A_199, %scan3A_200 : i32
      %scan3A_202 = arith.constant 1 : i32
      %scan3A_203 = scf.for %scan3A_209 = %scan3A_199 to %scan3A_201 step %scan3A_202 iter_args(%scan3A_210 = %broadcast_in_dim3A_198) -> (vector<16xf32>)  : i32 {
        %mul3A_211 = arith.constant 8 : i32
        %mul3A_212 = arith.muli %scan3A_209, %mul3A_211 : i32
        %add3A_213 = arith.constant 0 : i32
        %add3A_214 = arith.addi %mul3A_212, %add3A_213 : i32
        %add3A_215 = vector.broadcast %add3A_214 : i32 to vector<16xi32>
        %add3A_216 = arith.addi %broadcast_in_dim3A_3, %add3A_215 : vector<16xi32>
        %gather3A = tpu.vector_load_idx %arg7[%add3A_196, %add3A_216] : memref<48x200xi32, #tpu.memory_space<vmem>>[vector<16xi32>, vector<16xi32>], vector<16xi32>,
        %gather3A_217 = tpu.vector_load_idx %arg6[%gather3A] : memref<100352xf32, #tpu.memory_space<vmem>>[vector<16xi32>], vector<16xf32>,
        %add3A_218 = arith.addf %scan3A_210, %gather3A_217 : vector<16xf32>
        %add3A_219 = arith.constant 1 : i32
        %add3A_220 = arith.addi %mul3A_212, %add3A_219 : i32
        %add3A_221 = vector.broadcast %add3A_220 : i32 to vector<16xi32>
        %add3A_222 = arith.addi %broadcast_in_dim3A_3, %add3A_221 : vector<16xi32>
        %gather3A_223 = tpu.vector_load_idx %arg7[%add3A_196, %add3A_222] : memref<48x200xi32, #tpu.memory_space<vmem>>[vector<16xi32>, vector<16xi32>], vector<16xi32>,
        %gather3A_224 = tpu.vector_load_idx %arg6[%gather3A_223] : memref<100352xf32, #tpu.memory_space<vmem>>[vector<16xi32>], vector<16xf32>,
        %add3A_225 = arith.addf %add3A_218, %gather3A_224 : vector<16xf32>
        %add3A_226 = arith.constant 2 : i32
        %add3A_227 = arith.addi %mul3A_212, %add3A_226 : i32
        %add3A_228 = vector.broadcast %add3A_227 : i32 to vector<16xi32>
        %add3A_229 = arith.addi %broadcast_in_dim3A_3, %add3A_228 : vector<16xi32>
        %gather3A_230 = tpu.vector_load_idx %arg7[%add3A_196, %add3A_229] : memref<48x200xi32, #tpu.memory_space<vmem>>[vector<16xi32>, vector<16xi32>], vector<16xi32>,
        %gather3A_231 = tpu.vector_load_idx %arg6[%gather3A_230] : memref<100352xf32, #tpu.memory_space<vmem>>[vector<16xi32>], vector<16xf32>,
        %add3A_232 = arith.addf %add3A_225, %gather3A_231 : vector<16xf32>
        %add3A_233 = arith.constant 3 : i32
        %add3A_234 = arith.addi %mul3A_212, %add3A_233 : i32
        %add3A_235 = vector.broadcast %add3A_234 : i32 to vector<16xi32>
        %add3A_236 = arith.addi %broadcast_in_dim3A_3, %add3A_235 : vector<16xi32>
        %gather3A_237 = tpu.vector_load_idx %arg7[%add3A_196, %add3A_236] : memref<48x200xi32, #tpu.memory_space<vmem>>[vector<16xi32>, vector<16xi32>], vector<16xi32>,
        %gather3A_238 = tpu.vector_load_idx %arg6[%gather3A_237] : memref<100352xf32, #tpu.memory_space<vmem>>[vector<16xi32>], vector<16xf32>,
        %add3A_239 = arith.addf %add3A_232, %gather3A_238 : vector<16xf32>
        %add3A_240 = arith.constant 4 : i32
        %add3A_241 = arith.addi %mul3A_212, %add3A_240 : i32
        %add3A_242 = vector.broadcast %add3A_241 : i32 to vector<16xi32>
        %add3A_243 = arith.addi %broadcast_in_dim3A_3, %add3A_242 : vector<16xi32>
        %gather3A_244 = tpu.vector_load_idx %arg7[%add3A_196, %add3A_243] : memref<48x200xi32, #tpu.memory_space<vmem>>[vector<16xi32>, vector<16xi32>], vector<16xi32>,
        %gather3A_245 = tpu.vector_load_idx %arg6[%gather3A_244] : memref<100352xf32, #tpu.memory_space<vmem>>[vector<16xi32>], vector<16xf32>,
        %add3A_246 = arith.addf %add3A_239, %gather3A_245 : vector<16xf32>
        %add3A_247 = arith.constant 5 : i32
        %add3A_248 = arith.addi %mul3A_212, %add3A_247 : i32
        %add3A_249 = vector.broadcast %add3A_248 : i32 to vector<16xi32>
        %add3A_250 = arith.addi %broadcast_in_dim3A_3, %add3A_249 : vector<16xi32>
        %gather3A_251 = tpu.vector_load_idx %arg7[%add3A_196, %add3A_250] : memref<48x200xi32, #tpu.memory_space<vmem>>[vector<16xi32>, vector<16xi32>], vector<16xi32>,
        %gather3A_252 = tpu.vector_load_idx %arg6[%gather3A_251] : memref<100352xf32, #tpu.memory_space<vmem>>[vector<16xi32>], vector<16xf32>,
        %add3A_253 = arith.addf %add3A_246, %gather3A_252 : vector<16xf32>
        %add3A_254 = arith.constant 6 : i32
        %add3A_255 = arith.addi %mul3A_212, %add3A_254 : i32
        %add3A_256 = vector.broadcast %add3A_255 : i32 to vector<16xi32>
        %add3A_257 = arith.addi %broadcast_in_dim3A_3, %add3A_256 : vector<16xi32>
        %gather3A_258 = tpu.vector_load_idx %arg7[%add3A_196, %add3A_257] : memref<48x200xi32, #tpu.memory_space<vmem>>[vector<16xi32>, vector<16xi32>], vector<16xi32>,
        %gather3A_259 = tpu.vector_load_idx %arg6[%gather3A_258] : memref<100352xf32, #tpu.memory_space<vmem>>[vector<16xi32>], vector<16xf32>,
        %add3A_260 = arith.addf %add3A_253, %gather3A_259 : vector<16xf32>
        %add3A_261 = arith.constant 7 : i32
        %add3A_262 = arith.addi %mul3A_212, %add3A_261 : i32
        %add3A_263 = vector.broadcast %add3A_262 : i32 to vector<16xi32>
        %add3A_264 = arith.addi %broadcast_in_dim3A_3, %add3A_263 : vector<16xi32>
        %gather3A_265 = tpu.vector_load_idx %arg7[%add3A_196, %add3A_264] : memref<48x200xi32, #tpu.memory_space<vmem>>[vector<16xi32>, vector<16xi32>], vector<16xi32>,
        %gather3A_266 = tpu.vector_load_idx %arg6[%gather3A_265] : memref<100352xf32, #tpu.memory_space<vmem>>[vector<16xi32>], vector<16xf32>,
        %add3A_267 = arith.addf %add3A_260, %gather3A_266 : vector<16xf32>
        scf.yield %add3A_267 : vector<16xf32>
      }
      %scan3A_204 = arith.constant 25 : i32
      %mul3A_205 = arith.constant 16 : i32
      %mul3A_206 = arith.muli %add3A_171, %mul3A_205 : i32
      %swap3A_207 = arith.index_cast %mul3A_206 : i32 to index
      %swap3A_208 = tpu.vector_load %arg10[%swap3A_207] {strides = array<i32>} : memref<512xf32, #tpu.memory_space<vmem>>, vector<16xf32>,
      tpu.vector_store %arg10[%swap3A_207], %scan3A_203 {strides = array<i32>} : memref<512xf32, #tpu.memory_space<vmem>>, vector<16xf32>,
    }
    %scan3A_37 = arith.constant 10 : i32
    %add3A_38 = arith.constant 480 : i32
    %add3A_39 = arith.addi %mul3A_2, %add3A_38 : i32
    %dma_wait3A = arith.constant 0 : i32
    %dma_wait3A_40 = arith.constant 0 : i32
    %dma_wait3A_41 = tpu.memref_slice %arg7[%dma_wait3A, %dma_wait3A_40] : memref<48x200xi32, #tpu.memory_space<vmem>> -> memref<16x200xi32, #tpu.memory_space<vmem>>
    %dma_wait3A_42 = arith.constant 0 : i32
    %dma_wait3A_43 = tpu.memref_slice %arg2[%add3A_39, %dma_wait3A_42] : memref<16384x200xi32, #tpu.memory_space<hbm>> -> memref<16x200xi32, #tpu.memory_space<hbm>>
    %dma_wait3A_44 = arith.constant 0 : i32
    %dma_wait3A_45 = arith.constant 0 : i32
    %dma_wait3A_46 = tpu.memref_slice %arg7[%dma_wait3A_44, %dma_wait3A_45] : memref<48x200xi32, #tpu.memory_space<vmem>> -> memref<16x200xi32, #tpu.memory_space<vmem>>
    %dma_wait3A_47 = arith.constant 0 : i32
    %dma_wait3A_48 = tpu.memref_slice %arg2[%add3A_39, %dma_wait3A_47] : memref<16384x200xi32, #tpu.memory_space<hbm>> -> memref<16x200xi32, #tpu.memory_space<hbm>>
    tpu.wait_dma2 semaphore(%arg12 : memref<!tpu.dma_semaphore, #tpu.memory_space<semaphore_mem>>) src(%dma_wait3A_48 : memref<16x200xi32, #tpu.memory_space<hbm>>) dst(%dma_wait3A_46 : memref<16x200xi32, #tpu.memory_space<vmem>>)
    %add3A_49 = arith.constant 0 : i32
    %add3A_50 = vector.broadcast %add3A_49 : i32 to vector<16xi32>
    %add3A_51 = arith.addi %iota3A, %add3A_50 : vector<16xi32>
    %broadcast_in_dim3A_52 = arith.constant 0.000000e+00 : f32
    %broadcast_in_dim3A_53 = vector.broadcast %broadcast_in_dim3A_52 : f32 to vector<16xf32>
    %scan3A_54 = arith.constant 0 : i32
    %scan3A_55 = arith.constant 25 : i32
    %scan3A_56 = arith.addi %scan3A_54, %scan3A_55 : i32
    %scan3A_57 = arith.constant 1 : i32
    %scan3A_58 = scf.for %scan3A_86 = %scan3A_54 to %scan3A_56 step %scan3A_57 iter_args(%scan3A_87 = %broadcast_in_dim3A_53) -> (vector<16xf32>)  : i32 {
      %mul3A_88 = arith.constant 8 : i32
      %mul3A_89 = arith.muli %scan3A_86, %mul3A_88 : i32
      %add3A_90 = arith.constant 0 : i32
      %add3A_91 = arith.addi %mul3A_89, %add3A_90 : i32
      %add3A_92 = vector.broadcast %add3A_91 : i32 to vector<16xi32>
      %add3A_93 = arith.addi %broadcast_in_dim3A_3, %add3A_92 : vector<16xi32>
      %gather3A = tpu.vector_load_idx %arg7[%add3A_51, %add3A_93] : memref<48x200xi32, #tpu.memory_space<vmem>>[vector<16xi32>, vector<16xi32>], vector<16xi32>,
      %gather3A_94 = tpu.vector_load_idx %arg6[%gather3A] : memref<100352xf32, #tpu.memory_space<vmem>>[vector<16xi32>], vector<16xf32>,
      %add3A_95 = arith.addf %scan3A_87, %gather3A_94 : vector<16xf32>
      %add3A_96 = arith.constant 1 : i32
      %add3A_97 = arith.addi %mul3A_89, %add3A_96 : i32
      %add3A_98 = vector.broadcast %add3A_97 : i32 to vector<16xi32>
      %add3A_99 = arith.addi %broadcast_in_dim3A_3, %add3A_98 : vector<16xi32>
      %gather3A_100 = tpu.vector_load_idx %arg7[%add3A_51, %add3A_99] : memref<48x200xi32, #tpu.memory_space<vmem>>[vector<16xi32>, vector<16xi32>], vector<16xi32>,
      %gather3A_101 = tpu.vector_load_idx %arg6[%gather3A_100] : memref<100352xf32, #tpu.memory_space<vmem>>[vector<16xi32>], vector<16xf32>,
      %add3A_102 = arith.addf %add3A_95, %gather3A_101 : vector<16xf32>
      %add3A_103 = arith.constant 2 : i32
      %add3A_104 = arith.addi %mul3A_89, %add3A_103 : i32
      %add3A_105 = vector.broadcast %add3A_104 : i32 to vector<16xi32>
      %add3A_106 = arith.addi %broadcast_in_dim3A_3, %add3A_105 : vector<16xi32>
      %gather3A_107 = tpu.vector_load_idx %arg7[%add3A_51, %add3A_106] : memref<48x200xi32, #tpu.memory_space<vmem>>[vector<16xi32>, vector<16xi32>], vector<16xi32>,
      %gather3A_108 = tpu.vector_load_idx %arg6[%gather3A_107] : memref<100352xf32, #tpu.memory_space<vmem>>[vector<16xi32>], vector<16xf32>,
      %add3A_109 = arith.addf %add3A_102, %gather3A_108 : vector<16xf32>
      %add3A_110 = arith.constant 3 : i32
      %add3A_111 = arith.addi %mul3A_89, %add3A_110 : i32
      %add3A_112 = vector.broadcast %add3A_111 : i32 to vector<16xi32>
      %add3A_113 = arith.addi %broadcast_in_dim3A_3, %add3A_112 : vector<16xi32>
      %gather3A_114 = tpu.vector_load_idx %arg7[%add3A_51, %add3A_113] : memref<48x200xi32, #tpu.memory_space<vmem>>[vector<16xi32>, vector<16xi32>], vector<16xi32>,
      %gather3A_115 = tpu.vector_load_idx %arg6[%gather3A_114] : memref<100352xf32, #tpu.memory_space<vmem>>[vector<16xi32>], vector<16xf32>,
      %add3A_116 = arith.addf %add3A_109, %gather3A_115 : vector<16xf32>
      %add3A_117 = arith.constant 4 : i32
      %add3A_118 = arith.addi %mul3A_89, %add3A_117 : i32
      %add3A_119 = vector.broadcast %add3A_118 : i32 to vector<16xi32>
      %add3A_120 = arith.addi %broadcast_in_dim3A_3, %add3A_119 : vector<16xi32>
      %gather3A_121 = tpu.vector_load_idx %arg7[%add3A_51, %add3A_120] : memref<48x200xi32, #tpu.memory_space<vmem>>[vector<16xi32>, vector<16xi32>], vector<16xi32>,
      %gather3A_122 = tpu.vector_load_idx %arg6[%gather3A_121] : memref<100352xf32, #tpu.memory_space<vmem>>[vector<16xi32>], vector<16xf32>,
      %add3A_123 = arith.addf %add3A_116, %gather3A_122 : vector<16xf32>
      %add3A_124 = arith.constant 5 : i32
      %add3A_125 = arith.addi %mul3A_89, %add3A_124 : i32
      %add3A_126 = vector.broadcast %add3A_125 : i32 to vector<16xi32>
      %add3A_127 = arith.addi %broadcast_in_dim3A_3, %add3A_126 : vector<16xi32>
      %gather3A_128 = tpu.vector_load_idx %arg7[%add3A_51, %add3A_127] : memref<48x200xi32, #tpu.memory_space<vmem>>[vector<16xi32>, vector<16xi32>], vector<16xi32>,
      %gather3A_129 = tpu.vector_load_idx %arg6[%gather3A_128] : memref<100352xf32, #tpu.memory_space<vmem>>[vector<16xi32>], vector<16xf32>,
      %add3A_130 = arith.addf %add3A_123, %gather3A_129 : vector<16xf32>
      %add3A_131 = arith.constant 6 : i32
      %add3A_132 = arith.addi %mul3A_89, %add3A_131 : i32
      %add3A_133 = vector.broadcast %add3A_132 : i32 to vector<16xi32>
      %add3A_134 = arith.addi %broadcast_in_dim3A_3, %add3A_133 : vector<16xi32>
      %gather3A_135 = tpu.vector_load_idx %arg7[%add3A_51, %add3A_134] : memref<48x200xi32, #tpu.memory_space<vmem>>[vector<16xi32>, vector<16xi32>], vector<16xi32>,
      %gather3A_136 = tpu.vector_load_idx %arg6[%gather3A_135] : memref<100352xf32, #tpu.memory_space<vmem>>[vector<16xi32>], vector<16xf32>,
      %add3A_137 = arith.addf %add3A_130, %gather3A_136 : vector<16xf32>
      %add3A_138 = arith.constant 7 : i32
      %add3A_139 = arith.addi %mul3A_89, %add3A_138 : i32
      %add3A_140 = vector.broadcast %add3A_139 : i32 to vector<16xi32>
      %add3A_141 = arith.addi %broadcast_in_dim3A_3, %add3A_140 : vector<16xi32>
      %gather3A_142 = tpu.vector_load_idx %arg7[%add3A_51, %add3A_141] : memref<48x200xi32, #tpu.memory_space<vmem>>[vector<16xi32>, vector<16xi32>], vector<16xi32>,
      %gather3A_143 = tpu.vector_load_idx %arg6[%gather3A_142] : memref<100352xf32, #tpu.memory_space<vmem>>[vector<16xi32>], vector<16xf32>,
      %add3A_144 = arith.addf %add3A_137, %gather3A_143 : vector<16xf32>
      scf.yield %add3A_144 : vector<16xf32>
    }
    %scan3A_59 = arith.constant 25 : i32
    %swap3A = arith.constant 480 : index
    %swap3A_60 = tpu.vector_load %arg10[%swap3A] {strides = array<i32>} : memref<512xf32, #tpu.memory_space<vmem>>, vector<16xf32>,
    tpu.vector_store %arg10[%swap3A], %scan3A_58 {strides = array<i32>} : memref<512xf32, #tpu.memory_space<vmem>>, vector<16xf32>,
    %add3A_61 = arith.constant 496 : i32
    %add3A_62 = arith.addi %mul3A_2, %add3A_61 : i32
    %dma_wait3A_63 = arith.constant 16 : i32
    %dma_wait3A_64 = arith.constant 0 : i32
    %dma_wait3A_65 = tpu.memref_slice %arg7[%dma_wait3A_63, %dma_wait3A_64] : memref<48x200xi32, #tpu.memory_space<vmem>> -> memref<16x200xi32, #tpu.memory_space<vmem>>
    %dma_wait3A_66 = arith.constant 0 : i32
    %dma_wait3A_67 = tpu.memref_slice %arg2[%add3A_62, %dma_wait3A_66] : memref<16384x200xi32, #tpu.memory_space<hbm>> -> memref<16x200xi32, #tpu.memory_space<hbm>>
    %dma_wait3A_68 = arith.constant 16 : i32
    %dma_wait3A_69 = arith.constant 0 : i32
    %dma_wait3A_70 = tpu.memref_slice %arg7[%dma_wait3A_68, %dma_wait3A_69] : memref<48x200xi32, #tpu.memory_space<vmem>> -> memref<16x200xi32, #tpu.memory_space<vmem>>
    %dma_wait3A_71 = arith.constant 0 : i32
    %dma_wait3A_72 = tpu.memref_slice %arg2[%add3A_62, %dma_wait3A_71] : memref<16384x200xi32, #tpu.memory_space<hbm>> -> memref<16x200xi32, #tpu.memory_space<hbm>>
    tpu.wait_dma2 semaphore(%arg13 : memref<!tpu.dma_semaphore, #tpu.memory_space<semaphore_mem>>) src(%dma_wait3A_72 : memref<16x200xi32, #tpu.memory_space<hbm>>) dst(%dma_wait3A_70 : memref<16x200xi32, #tpu.memory_space<vmem>>)
    %add3A_73 = arith.constant 16 : i32
    %add3A_74 = vector.broadcast %add3A_73 : i32 to vector<16xi32>
    %add3A_75 = arith.addi %iota3A, %add3A_74 : vector<16xi32>
    %broadcast_in_dim3A_76 = arith.constant 0.000000e+00 : f32
    %broadcast_in_dim3A_77 = vector.broadcast %broadcast_in_dim3A_76 : f32 to vector<16xf32>
    %scan3A_78 = arith.constant 0 : i32
    %scan3A_79 = arith.constant 25 : i32
    %scan3A_80 = arith.addi %scan3A_78, %scan3A_79 : i32
    %scan3A_81 = arith.constant 1 : i32
    %scan3A_82 = scf.for %scan3A_86 = %scan3A_78 to %scan3A_80 step %scan3A_81 iter_args(%scan3A_87 = %broadcast_in_dim3A_77) -> (vector<16xf32>)  : i32 {
      %mul3A_88 = arith.constant 8 : i32
      %mul3A_89 = arith.muli %scan3A_86, %mul3A_88 : i32
      %add3A_90 = arith.constant 0 : i32
      %add3A_91 = arith.addi %mul3A_89, %add3A_90 : i32
      %add3A_92 = vector.broadcast %add3A_91 : i32 to vector<16xi32>
      %add3A_93 = arith.addi %broadcast_in_dim3A_3, %add3A_92 : vector<16xi32>
      %gather3A = tpu.vector_load_idx %arg7[%add3A_75, %add3A_93] : memref<48x200xi32, #tpu.memory_space<vmem>>[vector<16xi32>, vector<16xi32>], vector<16xi32>,
      %gather3A_94 = tpu.vector_load_idx %arg6[%gather3A] : memref<100352xf32, #tpu.memory_space<vmem>>[vector<16xi32>], vector<16xf32>,
      %add3A_95 = arith.addf %scan3A_87, %gather3A_94 : vector<16xf32>
      %add3A_96 = arith.constant 1 : i32
      %add3A_97 = arith.addi %mul3A_89, %add3A_96 : i32
      %add3A_98 = vector.broadcast %add3A_97 : i32 to vector<16xi32>
      %add3A_99 = arith.addi %broadcast_in_dim3A_3, %add3A_98 : vector<16xi32>
      %gather3A_100 = tpu.vector_load_idx %arg7[%add3A_75, %add3A_99] : memref<48x200xi32, #tpu.memory_space<vmem>>[vector<16xi32>, vector<16xi32>], vector<16xi32>,
      %gather3A_101 = tpu.vector_load_idx %arg6[%gather3A_100] : memref<100352xf32, #tpu.memory_space<vmem>>[vector<16xi32>], vector<16xf32>,
      %add3A_102 = arith.addf %add3A_95, %gather3A_101 : vector<16xf32>
      %add3A_103 = arith.constant 2 : i32
      %add3A_104 = arith.addi %mul3A_89, %add3A_103 : i32
      %add3A_105 = vector.broadcast %add3A_104 : i32 to vector<16xi32>
      %add3A_106 = arith.addi %broadcast_in_dim3A_3, %add3A_105 : vector<16xi32>
      %gather3A_107 = tpu.vector_load_idx %arg7[%add3A_75, %add3A_106] : memref<48x200xi32, #tpu.memory_space<vmem>>[vector<16xi32>, vector<16xi32>], vector<16xi32>,
      %gather3A_108 = tpu.vector_load_idx %arg6[%gather3A_107] : memref<100352xf32, #tpu.memory_space<vmem>>[vector<16xi32>], vector<16xf32>,
      %add3A_109 = arith.addf %add3A_102, %gather3A_108 : vector<16xf32>
      %add3A_110 = arith.constant 3 : i32
      %add3A_111 = arith.addi %mul3A_89, %add3A_110 : i32
      %add3A_112 = vector.broadcast %add3A_111 : i32 to vector<16xi32>
      %add3A_113 = arith.addi %broadcast_in_dim3A_3, %add3A_112 : vector<16xi32>
      %gather3A_114 = tpu.vector_load_idx %arg7[%add3A_75, %add3A_113] : memref<48x200xi32, #tpu.memory_space<vmem>>[vector<16xi32>, vector<16xi32>], vector<16xi32>,
      %gather3A_115 = tpu.vector_load_idx %arg6[%gather3A_114] : memref<100352xf32, #tpu.memory_space<vmem>>[vector<16xi32>], vector<16xf32>,
      %add3A_116 = arith.addf %add3A_109, %gather3A_115 : vector<16xf32>
      %add3A_117 = arith.constant 4 : i32
      %add3A_118 = arith.addi %mul3A_89, %add3A_117 : i32
      %add3A_119 = vector.broadcast %add3A_118 : i32 to vector<16xi32>
      %add3A_120 = arith.addi %broadcast_in_dim3A_3, %add3A_119 : vector<16xi32>
      %gather3A_121 = tpu.vector_load_idx %arg7[%add3A_75, %add3A_120] : memref<48x200xi32, #tpu.memory_space<vmem>>[vector<16xi32>, vector<16xi32>], vector<16xi32>,
      %gather3A_122 = tpu.vector_load_idx %arg6[%gather3A_121] : memref<100352xf32, #tpu.memory_space<vmem>>[vector<16xi32>], vector<16xf32>,
      %add3A_123 = arith.addf %add3A_116, %gather3A_122 : vector<16xf32>
      %add3A_124 = arith.constant 5 : i32
      %add3A_125 = arith.addi %mul3A_89, %add3A_124 : i32
      %add3A_126 = vector.broadcast %add3A_125 : i32 to vector<16xi32>
      %add3A_127 = arith.addi %broadcast_in_dim3A_3, %add3A_126 : vector<16xi32>
      %gather3A_128 = tpu.vector_load_idx %arg7[%add3A_75, %add3A_127] : memref<48x200xi32, #tpu.memory_space<vmem>>[vector<16xi32>, vector<16xi32>], vector<16xi32>,
      %gather3A_129 = tpu.vector_load_idx %arg6[%gather3A_128] : memref<100352xf32, #tpu.memory_space<vmem>>[vector<16xi32>], vector<16xf32>,
      %add3A_130 = arith.addf %add3A_123, %gather3A_129 : vector<16xf32>
      %add3A_131 = arith.constant 6 : i32
      %add3A_132 = arith.addi %mul3A_89, %add3A_131 : i32
      %add3A_133 = vector.broadcast %add3A_132 : i32 to vector<16xi32>
      %add3A_134 = arith.addi %broadcast_in_dim3A_3, %add3A_133 : vector<16xi32>
      %gather3A_135 = tpu.vector_load_idx %arg7[%add3A_75, %add3A_134] : memref<48x200xi32, #tpu.memory_space<vmem>>[vector<16xi32>, vector<16xi32>], vector<16xi32>,
      %gather3A_136 = tpu.vector_load_idx %arg6[%gather3A_135] : memref<100352xf32, #tpu.memory_space<vmem>>[vector<16xi32>], vector<16xf32>,
      %add3A_137 = arith.addf %add3A_130, %gather3A_136 : vector<16xf32>
      %add3A_138 = arith.constant 7 : i32
      %add3A_139 = arith.addi %mul3A_89, %add3A_138 : i32
      %add3A_140 = vector.broadcast %add3A_139 : i32 to vector<16xi32>
      %add3A_141 = arith.addi %broadcast_in_dim3A_3, %add3A_140 : vector<16xi32>
      %gather3A_142 = tpu.vector_load_idx %arg7[%add3A_75, %add3A_141] : memref<48x200xi32, #tpu.memory_space<vmem>>[vector<16xi32>, vector<16xi32>], vector<16xi32>,
      %gather3A_143 = tpu.vector_load_idx %arg6[%gather3A_142] : memref<100352xf32, #tpu.memory_space<vmem>>[vector<16xi32>], vector<16xf32>,
      %add3A_144 = arith.addf %add3A_137, %gather3A_143 : vector<16xf32>
      scf.yield %add3A_144 : vector<16xf32>
    }
    %scan3A_83 = arith.constant 25 : i32
    %swap3A_84 = arith.constant 496 : index
    %swap3A_85 = tpu.vector_load %arg10[%swap3A_84] {strides = array<i32>} : memref<512xf32, #tpu.memory_space<vmem>>, vector<16xf32>,
    tpu.vector_store %arg10[%swap3A_84], %scan3A_82 {strides = array<i32>} : memref<512xf32, #tpu.memory_space<vmem>>, vector<16xf32>,
    "tpu.region"() ({
      %run_scoped3A = tpu.sem_alloc : memref<!tpu.dma_semaphore, #tpu.memory_space<semaphore_mem>>
      %dma_start3A_86 = tpu.memref_slice %arg5[%mul3A_2] : memref<16384xf32, #tpu.memory_space<hbm>> -> memref<512xf32, #tpu.memory_space<hbm>>
      %dma_start3A_87 = tpu.memref_slice %arg5[%mul3A_2] : memref<16384xf32, #tpu.memory_space<hbm>> -> memref<512xf32, #tpu.memory_space<hbm>>
      tpu.enqueue_dma source(%arg10 : memref<512xf32, #tpu.memory_space<vmem>>) target(%dma_start3A_87 : memref<512xf32, #tpu.memory_space<hbm>>) target_semaphore(%run_scoped3A : memref<!tpu.dma_semaphore, #tpu.memory_space<semaphore_mem>>)
      %dma_wait3A_88 = tpu.memref_slice %arg5[%mul3A_2] : memref<16384xf32, #tpu.memory_space<hbm>> -> memref<512xf32, #tpu.memory_space<hbm>>
      %dma_wait3A_89 = tpu.memref_slice %arg5[%mul3A_2] : memref<16384xf32, #tpu.memory_space<hbm>> -> memref<512xf32, #tpu.memory_space<hbm>>
      tpu.wait_dma2 semaphore(%run_scoped3A : memref<!tpu.dma_semaphore, #tpu.memory_space<semaphore_mem>>) src(%arg10 : memref<512xf32, #tpu.memory_space<vmem>>) dst(%dma_wait3A_89 : memref<512xf32, #tpu.memory_space<hbm>>)
      tpu.yield
    }) : () -> ()
    return
  }
}

</mosaic_0001>

<sc_bundles>
// kernel: kernel.3.cloned.1.call-start
scs
__scs_entry_jumppad:
0x0: {  	(pc) =	sbr.rel $0x88, $3  }
0x1: {  	(tag) =	ssettag $0x0;
	lr =	simm.s32 $0x1  }
0x2: {  	[smem:$0x3F9D] =	sst lr;
	_ =	strace $0xD0000000  }
0x3: {  	_ = 	snop  }
0x4: {  	_ = 	snop  }
0x5: {  	_ = 	snop  }
0x6: {  	_ = 	snop  }
0x7: {  	_ = 	snop  }
__scs_overlays_trampoline_lowered:
0x8: {  	[smem:$0x3FAC] =	sst s0  }
0x9: {  	[smem:$0x3FAD] =	sst s1  }
0xa: {  	[smem:$0x3FAE] =	sst s2  }
0xb: {  	[smem:$0x3FAF] =	sst s3  }
0xc: {  	[smem:$0x3FB0] =	sst s4  }
0xd: {  	[smem:$0x3FB1] =	sst s5  }
0xe: {  	[smem:$0x3FB2] =	sst s6  }
0xf: {  	[smem:$0x3FB3] =	sst s7  }
0x10: {  	[smem:$0x3FB4] =	sst s8  }
0x11: {  	[smem:$0x3FB5] =	sst s9;
	s0 =	simm.s32 @!p0 $0x0  }
0x12: {  	s1 =	sld [smem:$0x3F9B];
	s0 =	simm.s32 @p0 $0x1  }
0x13: {  	[smem:$0x3FB6] =	sst s0;
	s0 =	simm.s32 @!p1 $0x0  }
0x14: {  	s2 =	sld [smem:$0x3F9A];
	s0 =	simm.s32 @p1 $0x1  }
0x15: {  	[smem:$0x3FB7] =	sst s0;
	s0 =	simm.s32 @!p2 $0x0  }
0x16: {  	s3 =	sld [smem:$0x3FDB];
	s0 =	simm.s32 @p2 $0x1  }
0x17: {  	s4 =	simm.s32 $0x1BF5;
	[smem:$0x3FB9] =	sst s0  }
0x18: {  	s0 =	sld [smem:$0x3F9C];
	_ =	swait.ge [sflag:s4], $0x0  }
0x19: {  	s7 =	sld [smem:$0x3F9D]  }
0x1a: {  	s8 =	sadd.s32 $0xFFFFE003, lr  }
0x1b: {  	s9 =	sadd.s32 $0xFFFFFEF7, lr;
	s5 =	simm.s32 $0xFFFFFFFF;
	p2 =	slt.u32 s8, $0xFFFFF086  }
0x1c: {  	p1 =	slt.u32 s9, $0xF7A;
	s5 =	simm.s32 @!p2 $0x0  }
0x1d: {  	s5 =	simm.s32 @p1 $0x1;
	p0 =	seq.s32 s7, s2  }
0x1e: {  	s7 =	smul.u32 @!p0 $0xF7A, s2;
	p2 =	seq.s32 @!p0 s5, $0x0  }
0x1f: {  	s9 =	smul.u32 $0xF7A, s1;
	s8 =	simm.s32 @!p0 $0x1BF5;
	p2 =	por !p2, p0  }
0x20: {  	[sflag:s8] =	ssyncset.s32 @!p0 $0xFFFFF086;
	s6 =	sadd.s32 @!p0 s3, s7;
	s7 =	simm.s32 @!p0 $0x108  }
0x21: {  	s3 =	sadd.s32 s3, s9;
	s6 =	sadd.s32 @!p0 $0x88, s6;
	s7 =	simm.s32 @p2 $0x1082  }
0x22: {  	[simem:s7], [sflag:s8] =	dma.local @!p0 [hbm:s6], $0xF7A  }
0x23: {  	s9 =	sor.u32 $0xD0000000, s2;
	s6 =	simm.s32 $0x108;
	_ =	swait.ge @!p0 [sflag:s8], $0x0  }
0x24: {  	s3 =	sadd.s32 $0x88, s3;
	s6 =	simm.s32 @!p1 $0x1082;
	[sflag:s4] =	ssyncset.s32 $0xFFFFF086  }
0x25: {  	[simem:s6], [sflag:s4] =	dma.local [hbm:s3], $0xF7A  }
0x26: {  	[smem:$0x3F9D] =	sst s1;
	(tag) =	ssettag s2;
	_ =	strace s9  }
0x27: {  	s1 =	sld [smem:$0x3FAD]  }
0x28: {  	s2 =	sld [smem:$0x3FAE]  }
0x29: {  	s4 =	sld [smem:$0x3FB0]  }
0x2a: {  	p0 =	seq.s32 s5, $0x0;
	s5 =	sld [smem:$0x3FB1]  }
0x2b: {  	s6 =	sld [smem:$0x3FB2]  }
0x2c: {  	s7 =	sld [smem:$0x3FB3]  }
0x2d: {  	s3 =	simm.s32 $0x108;
	s8 =	sld [smem:$0x3FB4]  }
0x2e: {  	s3 =	simm.s32 @!p0 $0x1082;
	s9 =	sld [smem:$0x3FB5]  }
0x2f: {  	lr =	sadd.s32 s0, s3;
	s0 =	sld [smem:$0x3FAC]  }
0x30: {  	s3 =	sld [smem:$0x3FAF]  }
0x31: {  	[smem:$0x3FB8] =	sst s10  }
0x32: {  	s10 =	sld [smem:$0x3FB6];
	_ =	sdelay $0x3  }
0x33: {  	p0 =	seq.s32 s10, $0x1;
	s10 =	sld [smem:$0x3FB8];
	_ =	sdelay $0x3  }
0x34: {  	[smem:$0x3FB8] =	sst s10  }
0x35: {  	s10 =	sld [smem:$0x3FB7];
	_ =	sdelay $0x3  }
0x36: {  	p1 =	seq.s32 s10, $0x1;
	s10 =	sld [smem:$0x3FB8];
	_ =	sdelay $0x3  }
0x37: {  	[smem:$0x3FB8] =	sst s10  }
0x38: {  	s10 =	sld [smem:$0x3FB9]  }
0x39: {  	_ = 	snop;
	(pc) =	sbr.ind lr, $3  }
0x3a: {  	_ = 	snop  }
0x3b: {  	_ = 	snop  }
0x3c: {  	p2 =	seq.s32 s10, $0x1;
	s10 =	sld [smem:$0x3FB8]  }
0x3d: {  	_ =	shalt  }
0x3e: {  	_ =	shalt  }
0x3f: {  	_ =	shalt  }
0x40: {  	_ =	shalt  }
0x41: {  	_ =	shalt  }
0x42: {  	_ =	shalt  }
0x43: {  	_ =	shalt  }
0x44: {  	_ =	shalt  }
0x45: {  	_ =	shalt  }
0x46: {  	_ =	shalt  }
0x47: {  	_ =	shalt  }
0x48: {  	_ =	shalt  }
0x49: {  	_ =	shalt  }
0x4a: {  	_ =	shalt  }
0x4b: {  	_ =	shalt  }
0x4c: {  	_ =	shalt  }
0x4d: {  	_ =	shalt  }
0x4e: {  	_ =	shalt  }
0x4f: {  	_ =	shalt  }
0x50: {  	_ =	shalt  }
0x51: {  	_ =	shalt  }
0x52: {  	_ =	shalt  }
0x53: {  	_ =	shalt  }
0x54: {  	_ =	shalt  }
0x55: {  	_ =	shalt  }
0x56: {  	_ =	shalt  }
0x57: {  	_ =	shalt  }
0x58: {  	_ =	shalt  }
0x59: {  	_ =	shalt  }
0x5a: {  	_ =	shalt  }
0x5b: {  	_ =	shalt  }
0x5c: {  	_ =	shalt  }
0x5d: {  	_ =	shalt  }
0x5e: {  	_ =	shalt  }
0x5f: {  	_ =	shalt  }
0x60: {  	_ =	shalt  }
0x61: {  	_ =	shalt  }
0x62: {  	_ =	shalt  }
0x63: {  	_ =	shalt  }
0x64: {  	_ =	shalt  }
0x65: {  	_ =	shalt  }
0x66: {  	_ =	shalt  }
0x67: {  	_ =	shalt  }
0x68: {  	_ =	shalt  }
0x69: {  	_ =	shalt  }
0x6a: {  	_ =	shalt  }
0x6b: {  	_ =	shalt  }
0x6c: {  	_ =	shalt  }
0x6d: {  	_ =	shalt  }
0x6e: {  	_ =	shalt  }
0x6f: {  	_ =	shalt  }
0x70: {  	_ =	shalt  }
0x71: {  	_ =	shalt  }
0x72: {  	_ =	shalt  }
0x73: {  	_ =	shalt  }
0x74: {  	_ =	shalt  }
0x75: {  	_ =	shalt  }
0x76: {  	_ =	shalt  }
0x77: {  	_ =	shalt  }
0x78: {  	_ =	shalt  }
0x79: {  	_ =	shalt  }
0x7a: {  	_ =	shalt  }
0x7b: {  	_ =	shalt  }
0x7c: {  	_ =	shalt  }
0x7d: {  	_ =	shalt  }
0x7e: {  	_ =	shalt  }
0x7f: {  	_ =	shalt  }
0x80: {  	_ =	shalt  }
0x81: {  	_ =	shalt  }
0x82: {  	_ =	shalt  }
0x83: {  	_ =	shalt  }
0x84: {  	_ =	shalt  }
0x85: {  	_ =	shalt  }
0x86: {  	_ =	shalt  }
0x87: {  	_ =	shalt  }
.Lfunc_end0:
.L_simem_size_0:
called_computation_lowered:
.L_overlay_start_0:
0x88: {  	s2 =	sld [smem:$0x3FD9]  }
0x89: {  	s3 =	sld [smem:$0x3FFE];
	_ =	sdelay $0x1  }
0x8a: {  	s1 =	srdreg.scid  }
0x8b: {  	s0 =	sand.u32 $0x1, s1  }
0x8c: {  	s17 =	sshll.u32 s0, $0xA;
	s2 =	sadd.s32 s3, s2  }
0x8d: {  	s2 =	sadd.s32 s2, s17  }
0x8e: {  	[smem:$0x3FC4] =	sst s2  }
0x8f: {  	_ = 	snop  }
0x90: {  	s2 =	sld [smem:$0x3FC8]  }
0x91: {  	s18 =	sld [smem:$0x3FD0];
	(tm) =	ssettm $0x1  }
0x92: {  	s4 =	sld [smem:$0x3FFB];
	_ =	sdelay $0x3  }
0x93: {  	_ =	strace s4  }
0x94: {  	s4 =	sld [smem:$0x3FFC];
	_ =	sdelay $0x3  }
0x95: {  	_ =	strace s4  }
0x96: {  	s4 =	sld [smem:$0x3FFD];
	_ =	sdelay $0x3  }
0x97: {  	_ =	strace s4  }
0x98: {  	_ =	strace $0x8FFFFFFF  }
0x99: {  	s19 =	sld [smem:$0x3FDB];
	_ =	sdelay $0x1  }
0x9a: {  	s5 =	simm.s32 $_scs_section_size  }
0x9b: {  	s6 =	simm.s32 $_size__tile_overlayer_lowered;
	s7 =	simm.s32 $_tile_overlayer_lowered  }
0x9c: {  	s22 =	simm.s32 $0x1BFF;
	s21 =	sshll.u32 s7, $0x1;
	s4 =	sadd.s32 s5, s19  }
0x9d: {  	s8 =	simm.s32 $0x0;
	s20 =	sshll.u32 s6, $0x1;
	s6 =	sadd.s32 s21, s4  }
0x9e: {  	[timem:s8], [sflag:s22] =	dma.local [hbm:s6], s20  }
0x9f: {  	_ =	swait.ge [sflag:s22], s20  }
0xa0: {  	s5 =	ssub.s32 $0x0, s20;
	[sflag:s22] =	ssyncset.done $0x0  }
0xa1: {  	[sflag:s22] =	ssyncadd.s32 s5;
	_ =	sdelay $0x1  }
0xa2: {  	s23 =	simm.s32 $0x1B8B  }
0xa3: {  	_ =	swait.ge [sflag:s23], $0x1  }
0xa4: {  	[sflag:s23] =	ssyncset.done $0x0  }
0xa5: {  	s25 =	simm.s32 $0x1B8E;
	s24 =	sld [smem:$0x3FFE];
	[sflag:s23] =	ssyncadd.s32 $0xFFFFFFFF  }
0xa6: {  	s26 =	simm.s32 $execute0_lowered;
	[smem:$0x3FD2] =	sst s25  }
0xa7: {  	s6 =	sshll.u32 s26, $0x1;
	_ =	strace $0x80000046;
	[dreg:$0x1] =	wrdreg $0xFFFFFFFF  }
0xa8: {  	s28 =	simm.s32 $_size_execute0_lowered;
	s4 =	sadd.s32 s4, s6;
	[dreg:$0x0] =	wrdreg $0x0  }
0xa9: {  	s6 =	sshll.u32 s28, $0x1;
	[dreg:$0x2] =	wrdreg s4  }
0xaa: {  	[dreg:$0x3] =	wrdreg s6  }
0xab: {  	[dreg:$0x4] =	wrdreg $0xC0  }
0xac: {  	_ =	task [dreg:s8], $0x5FFFF  }
0xad: {  	[dreg:$0x1] =	wrdreg $0xFFFFFFFF  }
0xae: {  	[dreg:$0x0] =	wrdreg $0x60  }
0xaf: {  	[dreg:$0x2] =	wrdreg s24  }
0xb0: {  	[dreg:$0x3] =	wrdreg s2  }
0xb1: {  	[dreg:$0x4] =	wrdreg s18  }
0xb2: {  	[dreg:$0x5] =	wrdreg $0x1DF000  }
0xb3: {  	[dreg:$0x6] =	wrdreg $0x9  }
0xb4: {  	_ =	task.clear_ibuf [dreg:s8], $0x7FFFF;
	_ =	strace $0x90000046  }
0xb5: {  	s29 =	simm.s32 $0x9;
	_ =	strace $0x80000048  }
0xb6: {  	_ =	swait.ge [sflag:s29], $0x1  }
0xb7: {  	[sflag:s29] =	ssyncadd.s32 $0xFFFFFFFF  }
0xb8: {  	_ =	strace $0x90000048  }
0xb9: {  	_ =	sfence  }
0xba: {  	s30 =	sld [smem:$0x0];
	_ =	sdelay $0x2  }
0xbb: {  	s31 =	sshll.u32 s1, $0xD;
	s1 =	sshrl.u32 s1, $0x2  }
0xbc: {  	s3 =	sand.u32 $0x4000, s31;
	s1 =	sadd.s32 s1, s30  }
0xbd: {  	s0 =	sor.u32 s3, s0;
	s1 =	sshll.u32 s1, $0x11  }
0xbe: {  	s0 =	sor.u32 s1, s0  }
0xbf: {  	s0 =	sadd.s32 $0x8F2B, s0  }
0xc0: {  	[sflag:s0] =	ssyncadd.remote.s32 $0x1  }
0xc1: {  	_ =	sfence.sel $0xFFFF  }
0xc2: {  	[dreg:$0x0] =	wrdreg $0xFFFFFFFF;
	(pc) =	sbr.abs _section_cstart, $3  }
0xc3: {  	[dreg:$0x1] =	wrdreg $0xFFFFFFFF  }
0xc4: {  	_ =	task.clear_ibuf [dreg:s8], $0x2FFFF;
	_ =	strace $0x9FFFFFFF  }
0xc5: {  	(tm) =	ssettm $0x7FFFFFFF  }
tec
execute0_lowered:
.L_overlay_start_1:
0x0: {  	(tag) =	ssettag $0x1  }
0x1: {  	v0 =	vimm.s32 $0xB80;
	vm2 =	vcmask $0x300;
	vm7 =	vcmask $0x704  }
0x2: {  	vm5 =	vcmask $0xB08;
	vm6 =	vcmask $0xF0C;
	vm4 =	vcmask $0x1310  }
0x3: {  	s3 =	rddreg [dreg:$0x0];
	vm3 =	vcmask $0x1714;
	vm1 =	vcmask $0x1B18;
	vm0 =	vcmask $0x1F1C  }
0x4: {  	s9 =	rddreg [dreg:$0x1];
	v1 =	vimm.s32 $0x1B80;
	v2 =	vimm.s32 $0x2B80;
	vm9 =	vcmask $0x2320  }
0x5: {  	s0 =	rddreg [dreg:$0x2];
	vm10 =	vcmask $0x2724;
	vm11 =	vcmask $0x2B28;
	vm12 =	vcmask $0x2F2C  }
0x6: {  	s1 =	rddreg [dreg:$0x3];
	s2 =	simm.s32 $0x0;
	vm13 =	vcmask $0x3330;
	vm14 =	vcmask $0x3734;
	vm15 =	vcmask $0x3B38  }
0x7: {  	s5 =	srdreg.scid;
	s12 =	stileid.u32;
	s18 =	simm.s32 $0x18800;
	v0 =	vsel vm2, $0x0, v0;
	v1 =	vsel vm2, $0x1000, v1;
	v2 =	vsel vm2, $0x2000, v2  }
0x8: {  	s19 =	simm.s32 $0x19800;
	s20 =	simm.s32 $0x4;
	s22 =	simm.s32 $0x1D080;
	v0 =	vsel vm7, $0x80, v0;
	v1 =	vsel vm7, $0x1080, v1;
	v2 =	vsel vm7, $0x2080, v2  }
0x9: {  	s29 =	simm.s32 $0x0;
	[smem:$0x7FF] =	sst s2;
	s4 =	sadd.s32 $0x200, s3;
	v0 =	vsel vm5, $0x100, v0;
	v1 =	vsel vm5, $0x1100, v1;
	v2 =	vsel vm5, $0x2100, v2  }
0xa: {  	s5 =	sand.u32 $0x1, s5;
	s7 =	sshll.u32 s12, $0xA;
	s23 =	smul.u32 $0x1880, s12;
	v0 =	vsel vm6, $0x180, v0;
	v1 =	vsel vm6, $0x1180, v1;
	v2 =	vsel vm6, $0x2180, v2  }
0xb: {  	s28 =	sadd.s32 $0x16F80, s1;
	s31 =	sadd.s32 $0x17B10, s1;
	p0 =	seq.s32 s12, $0xF;
	v0 =	vsel vm4, $0x200, v0;
	v1 =	vsel vm4, $0x1200, v1;
	v2 =	vsel vm4, $0x2200, v2  }
0xc: {  	_ =	strace $0x80000047;
	s6 =	ssub.s32 $0x2, s5;
	[dreg:$0x8] =	wrdreg s28;
	v0 =	vsel vm3, $0x280, v0;
	v1 =	vsel vm3, $0x1280, v1;
	v2 =	vsel vm3, $0x2280, v2  }
0xd: {  	s5 =	sshll.u32 s5, $0x9;
	[dreg:$0x9] =	wrdreg s31;
	s8 =	sshrl.u32 s6, $0x1;
	v0 =	vsel vm1, $0x300, v0;
	v1 =	vsel vm1, $0x1300, v1;
	v2 =	vsel vm1, $0x2300, v2  }
0xe: {  	s10 =	sor.u32 s5, s7;
	s5 =	sadd.s32 $0x80200, s3;
	s11 =	sshrl.u32 s23, $0x3;
	v0 =	vsel vm0, $0x380, v0;
	v1 =	vsel vm0, $0x1380, v1;
	v2 =	vsel vm0, $0x2380, v2  }
0xf: {  	s7 =	sadd.s32 s23, s1;
	s23 =	simm.s32 $0x1;
	s24 =	ssub.s32 s6, s8;
	v0 =	vsel vm9, $0x800, v0;
	v1 =	vsel vm9, $0x1800, v1;
	v2 =	vsel vm9, $0x2800, v2  }
0x10: {  	s25 =	sshll.u32 s10, $0x5;
	s11 =	sadd.s32 s9, s11;
	s26 =	sadd.s32 $0xC40, s7;
	v0 =	vsel vm10, $0x880, v0;
	v1 =	vsel vm10, $0x1880, v1;
	v2 =	vsel vm10, $0x2880, v2  }
0x11: {  	s9 =	sadd.s32 $0x2DF0, s9;
	s30 =	sshll.u32 s10, $0x8;
	[dreg:$0x5] =	wrdreg s11;
	v0 =	vsel vm11, $0x900, v0;
	v1 =	vsel vm11, $0x1900, v1;
	v2 =	vsel vm11, $0x2900, v2  }
0x12: {  	s10 =	sshrl.u32 s10, $0x3;
	s6 =	sadd.s32 s4, s25;
	[dreg:$0x6] =	wrdreg s26;
	v0 =	vsel vm12, $0x980, v0;
	v1 =	vsel vm12, $0x1980, v1;
	v2 =	vsel vm12, $0x2980, v2  }
0x13: {  	[dreg:$0x7] =	wrdreg s9;
	s14 =	sor.u32 $0x3000, s30;
	s15 =	sor.u32 $0x4000, s30;
	v0 =	vsel vm13, $0xA00, v0;
	v1 =	vsel vm13, $0x1A00, v1;
	v2 =	vsel vm13, $0x2A00, v2  }
0x14: {  	s16 =	sadd.s32 s0, s10;
	s17 =	smax.u32 s24, $0x1;
	s24 =	simm.s32 $0x1A800;
	v0 =	vsel vm14, $0xA80, v0;
	v1 =	vsel vm14, $0x1A80, v1;
	v2 =	vsel vm14, $0x2A80, v2  }
0x15: {  	s25 =	simm.s32 $0x2;
	s26 =	simm.s32 $0x3;
	s8 =	sadd.s32 $0x200, s6;
	v0 =	vsel vm15, $0xB00, v0;
	v1 =	vsel vm15, $0x1B00, v1;
	v2 =	vsel vm15, $0x2B00, v2  }
.LBB2_1:
0x16: {  	[tilespmem:s18], [sflag:$0x1] =	stream.linear.gather [hbm4b:s6+s2], $0x1000, $0x38;
	[tilespmem:$0x1F780] =	vst v63  }
0x17: {  	_ = 	snop  }
0x18: {  	[tilespmem:s19], [sflag:$0x2] =	stream.linear.gather [hbm4b:s8+s2], $0x1000, $0x38;
	[tilespmem:$0x1F780] =	vst v63  }
.Ltmp0:
0x19: {  	_ = 	snop;
	(pc) =	sbr.rel @!p0 .LBB2_2-.Ltmp0, $4  }
0x1a: {  	[tilespmem:s2], [sflag:$0x4] =	stream.linear.gather [hbm4b:s5+s2], $0xC351, $0x38;
	[tilespmem:$0x1F780] =	vst v63  }
0x1b: {  	_ =	swait.ge [sflag:s20], $0xC351  }
0x1c: {  	[sflag:s20] =	ssyncset.done $0x0  }
0x1d: {  	s0 =	simm.s32 $0x0;
	[sflag:s20] =	ssyncadd.s32 $0xFFFF3CAF  }
0x1e: {  	s3 =	rddreg [dreg:$0x7];
	s9 =	simm.s32 $0x1B800  }
0x1f: {  	[tilespmem:s9], [sflag:$0x4] =	stream.linear.gather [hbm4b:s3+s0], $0x1720, $0x38;
	[tilespmem:$0x1F780] =	vst v63  }
0x20: {  	_ =	swait.ge [sflag:s20], $0x1720  }
0x21: {  	[sflag:s20] =	ssyncset.done $0x0  }
0x22: {  	s0 =	simm.s32 $0x0;
	[sflag:s20] =	ssyncadd.s32 $0xFFFFE8E0  }
0x23: {  	v3 =	vld [tilespmem:s0+$0x1B800];
	_ =	sdelay $0x7  }
0x24: {  	s3 =	simm.s32 $0x10;
	s9 =	simm.s32 $0x80;
	v3 =	vld.idx.msk [tilespmem:v3+s2+$0x0], $0xffff  }
.LBB2_8:
0x25: {  	p1 =	sne.s32 s9, $0x2E00;
	v4 =	vld [tilespmem:s3+$0x1B800];
	_ =	sdelay $0x3  }
.Ltmp1:
0x26: {  	(pc) =	sbr.rel @p1 .LBB2_8-.Ltmp1, $2  }
0x27: {  	[tilespmem:s0+$0x1D080] =	vst v3;
	s0 =	smov.u32 s3;
	_ =	sdelay $0x2  }
0x28: {  	s3 =	sshra.s32 s9, $0x2;
	s9 =	sadd.s32 $0x40, s9;
	v3 =	vld.idx.msk [tilespmem:v4+s2+$0x0], $0xffff  }
0x29: {  	v4 =	vld [tilespmem:s3+$0x1B800];
	_ =	sdelay $0x6  }
0x2a: {  	[tilespmem:s0+$0x1D080] =	vst v3  }
0x2b: {  	v3 =	vld.idx.msk [tilespmem:v4+s2+$0x0], $0xffff;
	_ =	sdelay $0x4  }
0x2c: {  	s31 =	rddreg [dreg:$0x8];
	[tilespmem:s3+$0x1D080] =	vst v3  }
0x2d: {  	[spmem:s31] =	stream.linear.scatter [tilespmem:s22], [sflag:$0x4], $0xB90, $0x38;
	[tilespmem:$0x1F780] =	vst v63  }
0x2e: {  	_ =	swait.ge [sflag:s20], $0xB90  }
0x2f: {  	[sflag:s20] =	ssyncset.done $0x0  }
0x30: {  	s0 =	simm.s32 $0x0;
	[sflag:s20] =	ssyncadd.s32 $0xFFFFF470  }
0x31: {  	v3 =	vld [tilespmem:s0+$0x1C390];
	_ =	sdelay $0x7  }
0x32: {  	s9 =	simm.s32 $0x80;
	s3 =	simm.s32 $0x10;
	v3 =	vld.idx.msk [tilespmem:v3+s2+$0x0], $0xffff  }
.LBB2_10:
0x33: {  	p1 =	sne.s32 s9, $0x2E00;
	v4 =	vld [tilespmem:s3+$0x1C390];
	_ =	sdelay $0x3  }
.Ltmp2:
0x34: {  	(pc) =	sbr.rel @p1 .LBB2_10-.Ltmp2, $2  }
0x35: {  	[tilespmem:s0+$0x1D080] =	vst v3;
	s0 =	smov.u32 s3;
	_ =	sdelay $0x2  }
0x36: {  	s3 =	sshra.s32 s9, $0x2;
	s9 =	sadd.s32 $0x40, s9;
	v3 =	vld.idx.msk [tilespmem:v4+s2+$0x0], $0xffff  }
0x37: {  	v4 =	vld [tilespmem:s3+$0x1C390];
	_ =	sdelay $0x6  }
0x38: {  	[tilespmem:s0+$0x1D080] =	vst v3  }
0x39: {  	v3 =	vld.idx.msk [tilespmem:v4+s2+$0x0], $0xffff;
	_ =	sdelay $0x4  }
.Ltmp3:
0x3a: {  	s31 =	rddreg [dreg:$0x9];
	[tilespmem:s3+$0x1D080] =	vst v3;
	(pc) =	sbr.rel .LBB2_12-.Ltmp3, $4  }
0x3b: {  	[spmem:s31] =	stream.linear.scatter [tilespmem:s22], [sflag:$0x4], $0xB90, $0x38;
	[tilespmem:$0x1F780] =	vst v63  }
0x3c: {  	_ =	swait.ge [sflag:s20], $0xB90  }
0x3d: {  	[sflag:s20] =	ssyncset.done $0x0  }
0x3e: {  	[sflag:s20] =	ssyncadd.s32 $0xFFFFF470  }
.LBB2_2:
0x3f: {  	s3 =	rddreg [dreg:$0x5];
	s9 =	simm.s32 $0x1B800  }
0x40: {  	[tilespmem:s9], [sflag:$0x4] =	stream.linear.gather [hbm4b:s3+s0], $0x1880, $0x38;
	[tilespmem:$0x1F780] =	vst v63  }
0x41: {  	_ =	swait.ge [sflag:s20], $0x1880  }
0x42: {  	[sflag:s20] =	ssyncset.done $0x0  }
0x43: {  	s0 =	simm.s32 $0x0;
	[sflag:s20] =	ssyncadd.s32 $0xFFFFE780  }
0x44: {  	v3 =	vld [tilespmem:s0+$0x1B800];
	_ =	sdelay $0x7  }
0x45: {  	s3 =	simm.s32 $0x10;
	s9 =	simm.s32 $0x80;
	v3 =	vld.idx.msk [tilespmem:v3+s2+$0x0], $0xffff  }
.LBB2_3:
0x46: {  	p1 =	sne.s32 s9, $0x30C0;
	v4 =	vld [tilespmem:s3+$0x1B800];
	_ =	sdelay $0x3  }
.Ltmp4:
0x47: {  	(pc) =	sbr.rel @p1 .LBB2_3-.Ltmp4, $2  }
0x48: {  	[tilespmem:s0+$0x1D080] =	vst v3;
	s0 =	smov.u32 s3;
	_ =	sdelay $0x2  }
0x49: {  	s3 =	sshra.s32 s9, $0x2;
	s9 =	sadd.s32 $0x40, s9;
	v3 =	vld.idx.msk [tilespmem:v4+s2+$0x0], $0xffff  }
0x4a: {  	v4 =	vld [tilespmem:s3+$0x1B800];
	_ =	sdelay $0x6  }
0x4b: {  	[tilespmem:s0+$0x1D080] =	vst v3  }
0x4c: {  	v3 =	vld.idx.msk [tilespmem:v4+s2+$0x0], $0xffff;
	_ =	sdelay $0x4  }
0x4d: {  	[tilespmem:s3+$0x1D080] =	vst v3  }
0x4e: {  	[spmem:s7] =	stream.linear.scatter [tilespmem:s22], [sflag:$0x4], $0xC40, $0x38;
	[tilespmem:$0x1F780] =	vst v63  }
0x4f: {  	_ =	swait.ge [sflag:s20], $0xC40  }
0x50: {  	[sflag:s20] =	ssyncset.done $0x0  }
0x51: {  	s0 =	simm.s32 $0x0;
	[sflag:s20] =	ssyncadd.s32 $0xFFFFF3C0  }
0x52: {  	v3 =	vld [tilespmem:s0+$0x1C440];
	_ =	sdelay $0x7  }
0x53: {  	s9 =	simm.s32 $0x80;
	s3 =	simm.s32 $0x10;
	v3 =	vld.idx.msk [tilespmem:v3+s2+$0x0], $0xffff  }
.LBB2_5:
0x54: {  	p1 =	sne.s32 s9, $0x30C0;
	v4 =	vld [tilespmem:s3+$0x1C440];
	_ =	sdelay $0x3  }
.Ltmp5:
0x55: {  	(pc) =	sbr.rel @p1 .LBB2_5-.Ltmp5, $2  }
0x56: {  	[tilespmem:s0+$0x1D080] =	vst v3;
	s0 =	smov.u32 s3;
	_ =	sdelay $0x2  }
0x57: {  	s3 =	sshra.s32 s9, $0x2;
	s9 =	sadd.s32 $0x40, s9;
	v3 =	vld.idx.msk [tilespmem:v4+s2+$0x0], $0xffff  }
0x58: {  	v4 =	vld [tilespmem:s3+$0x1C440];
	_ =	sdelay $0x6  }
0x59: {  	[tilespmem:s0+$0x1D080] =	vst v3  }
0x5a: {  	v3 =	vld.idx.msk [tilespmem:v4+s2+$0x0], $0xffff;
	_ =	sdelay $0x4  }
0x5b: {  	s31 =	rddreg [dreg:$0x6];
	[tilespmem:s3+$0x1D080] =	vst v3  }
0x5c: {  	[spmem:s31] =	stream.linear.scatter [tilespmem:s22], [sflag:$0x4], $0xC40, $0x38;
	[tilespmem:$0x1F780] =	vst v63  }
0x5d: {  	_ =	swait.ge [sflag:s20], $0xC40  }
0x5e: {  	[sflag:s20] =	ssyncset.done $0x0  }
0x5f: {  	[sflag:s20] =	ssyncadd.s32 $0xFFFFF3C0  }
.LBB2_12:
0x60: {  	[bflag:$0x0] =	sbarrier.arrive $0xFFFF;
	s30 =	simm.s32 $0x0  }
0x61: {  	[tilespmem:s30], [sflag:$0x4] =	stream.linear.gather [spmem:s1], $0x18800, $0x38;
	[tilespmem:$0x1F780] =	vst v63  }
0x62: {  	_ =	swait.ge [sflag:s20], $0x18800  }
0x63: {  	[sflag:s20] =	ssyncset.done $0x0  }
0x64: {  	[sflag:s20] =	ssyncadd.s32 $0xFFFE7800  }
.LBB2_13:
0x65: {  	s0 =	simm.s32 $0x0;
	s3 =	simm.s32 $0x4  }
0x66: {  	s9 =	simm.s32 $0x5;
	s13 =	simm.s32 $0x2;
	v3 =	vmov s0;
	v4 =	vmov s3  }
0x67: {  	s28 =	simm.s32 $0x1;
	v5 =	vmov s9;
	v7 =	vmov s13;
	v6 =	vshll.u32 v3, $0x3  }
0x68: {  	v9 =	vmov s28;
	v3 =	vand.u32 $0x78, v3;
	v6 =	vand.u32 $0x400, v6  }
0x69: {  	s10 =	smul.u32 $0x3, s30;
	v10 =	vshll.u32 v9, $0x3;
	v9 =	vand.u32 $0x79, v9;
	v3 =	vor.u32 v6, v3  }
0x6a: {  	v11 =	vshll.u32 v7, $0x3;
	v10 =	vand.u32 $0x400, v10;
	v3 =	vor.u32 v0, v3  }
0x6b: {  	s21 =	simm.s32 $0x3;
	_ =	swait.ge [sflag:s23], $0x1000;
	s31 =	sadd.s32 $0x2, s10;
	v7 =	vand.u32 $0x7A, v7;
	v9 =	vor.u32 v10, v9;
	v10 =	vand.u32 $0x400, v11  }
0x6c: {  	s11 =	simm.s32 $0x6;
	v8 =	vmov s21;
	[sflag:s23] =	ssyncset.done $0x0;
	s0 =	sshll.u32 s31, $0x9;
	v9 =	vor.u32 v0, v9;
	v7 =	vor.u32 v10, v7  }
0x6d: {  	v12 =	vmov s11;
	[sflag:s23] =	ssyncadd.s32 $0xFFFFF000;
	s0 =	sadd.s32 s0, s6;
	v10 =	vshll.u32 v8, $0x3;
	v7 =	vor.u32 v0, v7  }
0x6e: {  	v6 =	vshll.u32 v4, $0x3;
	[tilespmem:s24], [sflag:$0x3] =	stream.linear.gather [hbm4b:s0+s2], $0x1000, $0x38;
	v8 =	vand.u32 $0x7B, v8;
	v10 =	vand.u32 $0x400, v10;
	[tilespmem:$0x1F780] =	vst v63  }
0x6f: {  	v4 =	vand.u32 $0x7C, v4;
	v6 =	vand.u32 $0x400, v6;
	v11 =	vld.idx.msk [tilespmem:v3+s18+$0x0], $0xffff;
	v3 =	vor.u32 v10, v8  }
0x70: {  	v4 =	vor.u32 v6, v4;
	v8 =	vshll.u32 v5, $0x3;
	v3 =	vor.u32 v0, v3  }
0x71: {  	v4 =	vor.u32 v0, v4;
	v5 =	vand.u32 $0x7D, v5;
	v10 =	vld.idx.msk [tilespmem:v9+s18+$0x0], $0xffff;
	v6 =	vand.u32 $0x400, v8  }
0x72: {  	s12 =	simm.s32 $0x7;
	v8 =	vld.idx.msk [tilespmem:v7+s18+$0x0], $0xffff;
	v7 =	vand.u32 $0x7E, v12;
	v5 =	vor.u32 v6, v5;
	v6 =	vshll.u32 v12, $0x3  }
0x73: {  	v16 =	vor.u32 v0, v5;
	v5 =	vmov s12;
	v6 =	vand.u32 $0x400, v6  }
0x74: {  	v6 =	vor.u32 v6, v7;
	v9 =	vshll.u32 v5, $0x3  }
0x75: {  	v13 =	vor.u32 v0, v6;
	v7 =	vld.idx.msk [tilespmem:v3+s18+$0x0], $0xffff;
	v3 =	vand.u32 $0x7F, v5;
	v5 =	vand.u32 $0x400, v9  }
0x76: {  	s13 =	simm.s32 $0xE;
	s21 =	simm.s32 $0xB;
	v6 =	vld.idx.msk [tilespmem:v4+s18+$0x0], $0xffff;
	v5 =	vor.u32 v5, v3  }
0x77: {  	s11 =	simm.s32 $0xC;
	s28 =	simm.s32 $0xD;
	s0 =	simm.s32 $0xF;
	v12 =	vimm.f32 $0.0e+00;
	v4 =	vmov s13;
	v14 =	vld.idx.msk [tilespmem:v11+s2+$0x0], $0xffff;
	v15 =	vor.u32 v0, v5  }
0x78: {  	s9 =	simm.s32 $0xA;
	s3 =	simm.s32 $0x17;
	s10 =	simm.s32 $0x8;
	v9 =	vmov s11;
	v3 =	vmov s0;
	v5 =	vmov s28;
	v11 =	vld.idx.msk [tilespmem:v16+s18+$0x0], $0xffff  }
.LBB2_14:
0x79: {  	p1 =	sne.s32 s3, $0xC7;
	v16 =	vmov s10;
	s10 =	sadd.s32 $0xFFFFFFFA, s0;
	v17 =	vmov s9;
	v18 =	vmov s21;
	v10 =	vld.idx.msk [tilespmem:v10+s2+$0x0], $0xffff;
	s0 =	smov.u32 s3  }
0x7a: {  	v21 =	vshll.u32 v5, $0x3;
	v19 =	vshll.u32 v16, $0x3;
	v20 =	vmov s10;
	v13 =	vld.idx.msk [tilespmem:v13+s18+$0x0], $0xffff  }
0x7b: {  	v22 =	vshll.u32 v9, $0x3;
	v16 =	vand.u32 $0x78, v16;
	v19 =	vand.u32 $0x400, v19;
	v8 =	vld.idx.msk [tilespmem:v8+s2+$0x0], $0xffff  }
0x7c: {  	v16 =	vor.u32 v19, v16;
	v19 =	vand.u32 $0x79, v20;
	v20 =	vshll.u32 v20, $0x3;
	v15 =	vld.idx.msk [tilespmem:v15+s18+$0x0], $0xffff  }
0x7d: {  	v12 =	vadd.f32 v14, v12;
	v16 =	vor.u32 v0, v16;
	v20 =	vand.u32 $0x400, v20;
	v7 =	vld.idx.msk [tilespmem:v7+s2+$0x0], $0xffff  }
0x7e: {  	v14 =	vor.u32 v20, v19;
	v19 =	vand.u32 $0x7A, v17;
	v17 =	vshll.u32 v17, $0x3  }
0x7f: {  	v10 =	vadd.f32 v10, v12;
	v14 =	vor.u32 v0, v14;
	v17 =	vand.u32 $0x400, v17;
	v6 =	vld.idx.msk [tilespmem:v6+s2+$0x0], $0xffff  }
0x80: {  	v12 =	vor.u32 v17, v19;
	v17 =	vand.u32 $0x7B, v18;
	v18 =	vshll.u32 v18, $0x3  }
0x81: {  	v8 =	vadd.f32 v8, v10;
	v12 =	vor.u32 v0, v12;
	v18 =	vand.u32 $0x400, v18;
	v11 =	vld.idx.msk [tilespmem:v11+s2+$0x0], $0xffff  }
0x82: {  	v9 =	vand.u32 $0x7C, v9;
	v16 =	vld.idx.msk [tilespmem:v16+s18+$0x0], $0xffff;
	v10 =	vor.u32 v18, v17;
	v17 =	vand.u32 $0x400, v22  }
0x83: {  	v7 =	vadd.f32 v7, v8;
	v18 =	vor.u32 v0, v10;
	v9 =	vor.u32 v17, v9;
	v17 =	vld.idx.msk [tilespmem:v13+s2+$0x0], $0xffff  }
0x84: {  	v5 =	vand.u32 $0x7D, v5;
	v8 =	vand.u32 $0x400, v21;
	v10 =	vld.idx.msk [tilespmem:v14+s18+$0x0], $0xffff;
	v9 =	vor.u32 v0, v9  }
0x85: {  	v5 =	vor.u32 v8, v5;
	v13 =	vshll.u32 v4, $0x3;
	v6 =	vadd.f32 v6, v7;
	v19 =	vld.idx.msk [tilespmem:v15+s2+$0x0], $0xffff  }
0x86: {  	v4 =	vand.u32 $0x7E, v4;
	v8 =	vld.idx.msk [tilespmem:v12+s18+$0x0], $0xffff;
	v12 =	vor.u32 v0, v5;
	v5 =	vand.u32 $0x400, v13  }
.Ltmp6:
0x87: {  	v11 =	vadd.f32 v11, v6;
	v4 =	vor.u32 v5, v4;
	v5 =	vshll.u32 v3, $0x3;
	(pc) =	sbr.rel @p1 .LBB2_14-.Ltmp6, $4  }
0x88: {  	v3 =	vand.u32 $0x7F, v3;
	v7 =	vld.idx.msk [tilespmem:v18+s18+$0x0], $0xffff;
	v13 =	vor.u32 v0, v4;
	v4 =	vand.u32 $0x400, v5  }
0x89: {  	s9 =	sadd.s32 $0xFFFFFFFF, s3;
	v17 =	vadd.f32 v17, v11;
	v6 =	vld.idx.msk [tilespmem:v9+s18+$0x0], $0xffff;
	v5 =	vor.u32 v4, v3  }
0x8a: {  	s21 =	sadd.s32 $0xFFFFFFFC, s3;
	s11 =	sadd.s32 $0xFFFFFFFD, s3;
	s28 =	sadd.s32 $0xFFFFFFFE, s3;
	v4 =	vmov s9;
	v3 =	vmov s3;
	v14 =	vld.idx.msk [tilespmem:v16+s2+$0x0], $0xffff;
	v15 =	vor.u32 v0, v5  }
0x8b: {  	s10 =	sadd.s32 $0xFFFFFFF9, s0;
	s9 =	sadd.s32 $0xFFFFFFFB, s0;
	v9 =	vmov s11;
	s3 =	sadd.s32 $0x8, s3;
	v5 =	vmov s28;
	v11 =	vld.idx.msk [tilespmem:v12+s18+$0x0], $0xffff;
	v12 =	vadd.f32 v19, v17  }
0x8c: {  	_ =	sdelay $0x1  }
0x8d: {  	v16 =	vmov s10;
	v17 =	vmov s9  }
0x8e: {  	s0 =	sadd.s32 $0xFFFFFFFA, s0;
	v18 =	vmov s21;
	v21 =	vshll.u32 v5, $0x3;
	v19 =	vshll.u32 v16, $0x3  }
0x8f: {  	v10 =	vld.idx.msk [tilespmem:v10+s2+$0x0], $0xffff;
	v20 =	vmov s0;
	v16 =	vand.u32 $0x78, v16;
	v19 =	vand.u32 $0x400, v19  }
0x90: {  	v22 =	vshll.u32 v9, $0x3;
	v61 =	vshll.u32 v20, $0x3;
	v16 =	vor.u32 v19, v16  }
0x91: {  	v13 =	vld.idx.msk [tilespmem:v13+s18+$0x0], $0xffff;
	v20 =	vand.u32 $0x79, v20;
	v19 =	vand.u32 $0x400, v61;
	v16 =	vor.u32 v0, v16  }
0x92: {  	v8 =	vld.idx.msk [tilespmem:v8+s2+$0x0], $0xffff;
	v62 =	vshll.u32 v17, $0x3;
	v12 =	vadd.f32 v14, v12;
	v14 =	vor.u32 v19, v20  }
0x93: {  	v15 =	vld.idx.msk [tilespmem:v15+s18+$0x0], $0xffff;
	v17 =	vand.u32 $0x7A, v17;
	v19 =	vand.u32 $0x400, v62;
	v14 =	vor.u32 v0, v14  }
0x94: {  	v7 =	vld.idx.msk [tilespmem:v7+s2+$0x0], $0xffff;
	v10 =	vadd.f32 v10, v12;
	v12 =	vor.u32 v19, v17;
	v17 =	vshll.u32 v18, $0x3  }
0x95: {  	v6 =	vld.idx.msk [tilespmem:v6+s2+$0x0], $0xffff;
	v18 =	vand.u32 $0x7B, v18;
	v12 =	vor.u32 v0, v12;
	v17 =	vand.u32 $0x400, v17  }
0x96: {  	v9 =	vand.u32 $0x7C, v9;
	v63 =	vand.u32 $0x400, v22;
	v17 =	vor.u32 v17, v18;
	v16 =	vld.idx.msk [tilespmem:v16+s18+$0x0], $0xffff  }
0x97: {  	v9 =	vor.u32 v63, v9;
	v8 =	vadd.f32 v8, v10;
	v10 =	vld.idx.msk [tilespmem:v11+s2+$0x0], $0xffff;
	v11 =	vor.u32 v0, v17  }
0x98: {  	v5 =	vand.u32 $0x7D, v5;
	v9 =	vor.u32 v0, v9;
	v17 =	vand.u32 $0x400, v21;
	v14 =	vld.idx.msk [tilespmem:v14+s18+$0x0], $0xffff  }
0x99: {  	v7 =	vadd.f32 v7, v8;
	v8 =	vld.idx.msk [tilespmem:v13+s2+$0x0], $0xffff;
	v5 =	vor.u32 v17, v5;
	v13 =	vshll.u32 v4, $0x3  }
0x9a: {  	v4 =	vand.u32 $0x7E, v4;
	v5 =	vor.u32 v0, v5;
	v13 =	vand.u32 $0x400, v13;
	v12 =	vld.idx.msk [tilespmem:v12+s18+$0x0], $0xffff  }
0x9b: {  	v6 =	vadd.f32 v6, v7;
	v7 =	vld.idx.msk [tilespmem:v15+s2+$0x0], $0xffff;
	v4 =	vor.u32 v13, v4;
	v13 =	vshll.u32 v3, $0x3  }
0x9c: {  	v3 =	vand.u32 $0x7F, v3;
	v4 =	vor.u32 v0, v4;
	v13 =	vand.u32 $0x400, v13;
	v11 =	vld.idx.msk [tilespmem:v11+s18+$0x0], $0xffff  }
0x9d: {  	v9 =	vld.idx.msk [tilespmem:v9+s18+$0x0], $0xffff;
	v6 =	vadd.f32 v10, v6;
	v3 =	vor.u32 v13, v3  }
0x9e: {  	v3 =	vor.u32 v0, v3;
	v10 =	vld.idx.msk [tilespmem:v16+s2+$0x0], $0xffff  }
0x9f: {  	v6 =	vadd.f32 v8, v6;
	v5 =	vld.idx.msk [tilespmem:v5+s18+$0x0], $0xffff  }
0xa0: {  	v8 =	vld.idx.msk [tilespmem:v14+s2+$0x0], $0xffff  }
0xa1: {  	v6 =	vadd.f32 v7, v6;
	v4 =	vld.idx.msk [tilespmem:v4+s18+$0x0], $0xffff  }
0xa2: {  	v7 =	vld.idx.msk [tilespmem:v12+s2+$0x0], $0xffff  }
0xa3: {  	v3 =	vld.idx.msk [tilespmem:v3+s18+$0x0], $0xffff;
	v6 =	vadd.f32 v10, v6  }
0xa4: {  	v10 =	vld.idx.msk [tilespmem:v11+s2+$0x0], $0xffff  }
0xa5: {  	v6 =	vadd.f32 v8, v6  }
0xa6: {  	v8 =	vld.idx.msk [tilespmem:v9+s2+$0x0], $0xffff  }
0xa7: {  	v6 =	vadd.f32 v7, v6  }
0xa8: {  	v5 =	vld.idx.msk [tilespmem:v5+s2+$0x0], $0xffff  }
0xa9: {  	v6 =	vadd.f32 v10, v6  }
0xaa: {  	v4 =	vld.idx.msk [tilespmem:v4+s2+$0x0], $0xffff  }
0xab: {  	v6 =	vadd.f32 v8, v6  }
0xac: {  	v3 =	vld.idx.msk [tilespmem:v3+s2+$0x0], $0xffff  }
0xad: {  	v5 =	vadd.f32 v5, v6;
	_ =	sdelay $0x1  }
0xae: {  	s21 =	simm.s32 $0x3;
	v4 =	vadd.f32 v4, v5  }
0xaf: {  	s10 =	simm.s32 $0x0;
	s13 =	simm.s32 $0x2;
	v9 =	vmov s21  }
0xb0: {  	s11 =	simm.s32 $0x5;
	v8 =	vmov s13;
	v3 =	vadd.f32 v3, v4;
	v4 =	vmov s10  }
0xb1: {  	s12 =	smul.u32 $0xC0, s30;
	v11 =	vshll.u32 v8, $0x3;
	v6 =	vmov s11;
	s11 =	simm.s32 $0x1;
	v7 =	vshll.u32 v4, $0x3  }
0xb2: {  	s3 =	simm.s32 $0x4;
	v10 =	vmov s11;
	v4 =	vand.u32 $0x78, v4;
	v7 =	vand.u32 $0x400, v7  }
0xb3: {  	s0 =	smul.u32 $0x3000, s30;
	v5 =	vmov s3;
	s3 =	sshra.s32 s12, $0x2;
	v4 =	vor.u32 v7, v4;
	v7 =	vshll.u32 v10, $0x3  }
0xb4: {  	[tilespmem:s3+$0x1DD00] =	vst v3;
	v10 =	vand.u32 $0x79, v10;
	v4 =	vor.u32 v1, v4;
	v7 =	vand.u32 $0x400, v7  }
0xb5: {  	v8 =	vand.u32 $0x7A, v8;
	s10 =	sadd.s32 s14, s0;
	v3 =	vshll.u32 v5, $0x3;
	_ =	swait.ge [sflag:s25], $0x1000;
	v7 =	vor.u32 v7, v10  }
0xb6: {  	s9 =	sshrl.u32 s10, $0x3;
	v5 =	vand.u32 $0x7C, v5;
	[sflag:s25] =	ssyncset.done $0x0;
	v10 =	vand.u32 $0x400, v11;
	v7 =	vor.u32 v1, v7  }
0xb7: {  	s9 =	sadd.s32 s4, s9;
	v3 =	vand.u32 $0x400, v3;
	[sflag:s25] =	ssyncadd.s32 $0xFFFFF000;
	v8 =	vor.u32 v10, v8;
	v10 =	vshll.u32 v9, $0x3  }
0xb8: {  	[tilespmem:s18], [sflag:$0x1] =	stream.linear.gather [hbm4b:s9+s2], $0x1000, $0x38;
	v9 =	vand.u32 $0x7B, v9;
	v8 =	vor.u32 v1, v8;
	v10 =	vand.u32 $0x400, v10;
	[tilespmem:$0x1F780] =	vst v63  }
0xb9: {  	v3 =	vor.u32 v3, v5;
	v11 =	vld.idx.msk [tilespmem:v4+s18+$0x0], $0xffff;
	v4 =	vor.u32 v10, v9  }
0xba: {  	s11 =	simm.s32 $0x6;
	v5 =	vand.u32 $0x7D, v6;
	v9 =	vshll.u32 v6, $0x3;
	v4 =	vor.u32 v1, v4  }
0xbb: {  	v3 =	vor.u32 v1, v3;
	v6 =	vand.u32 $0x400, v9;
	v9 =	vmov s11;
	v10 =	vld.idx.msk [tilespmem:v7+s18+$0x0], $0xffff  }
0xbc: {  	s12 =	simm.s32 $0x7;
	v5 =	vor.u32 v6, v5;
	v6 =	vshll.u32 v9, $0x3;
	v7 =	vand.u32 $0x7E, v9  }
0xbd: {  	v16 =	vor.u32 v1, v5;
	v5 =	vmov s12;
	v8 =	vld.idx.msk [tilespmem:v8+s18+$0x0], $0xffff;
	v6 =	vand.u32 $0x400, v6  }
0xbe: {  	v6 =	vor.u32 v6, v7;
	v9 =	vshll.u32 v5, $0x3  }
0xbf: {  	v13 =	vor.u32 v1, v6;
	v7 =	vld.idx.msk [tilespmem:v4+s18+$0x0], $0xffff;
	v4 =	vand.u32 $0x7F, v5;
	v5 =	vand.u32 $0x400, v9  }
0xc0: {  	s28 =	simm.s32 $0xC;
	s21 =	simm.s32 $0xF;
	v6 =	vld.idx.msk [tilespmem:v3+s18+$0x0], $0xffff;
	v5 =	vor.u32 v5, v4  }
0xc1: {  	v12 =	vimm.f32 $0.0e+00;
	s13 =	simm.s32 $0xE;
	s10 =	simm.s32 $0xA;
	s12 =	simm.s32 $0xD;
	v3 =	vmov s21;
	v14 =	vld.idx.msk [tilespmem:v11+s2+$0x0], $0xffff;
	v15 =	vor.u32 v1, v5  }
0xc2: {  	s9 =	simm.s32 $0xB;
	s11 =	simm.s32 $0x8;
	v9 =	vmov s28;
	s28 =	simm.s32 $0x17;
	v4 =	vmov s13;
	v5 =	vmov s12;
	v11 =	vld.idx.msk [tilespmem:v16+s18+$0x0], $0xffff  }
.LBB2_16:
0xc3: {  	p1 =	sne.s32 s28, $0xC7;
	v16 =	vmov s11;
	s11 =	sadd.s32 $0xFFFFFFFA, s21;
	v17 =	vmov s10;
	v18 =	vmov s9;
	v10 =	vld.idx.msk [tilespmem:v10+s2+$0x0], $0xffff;
	s21 =	smov.u32 s28  }
0xc4: {  	v21 =	vshll.u32 v5, $0x3;
	v19 =	vshll.u32 v16, $0x3;
	v20 =	vmov s11;
	v13 =	vld.idx.msk [tilespmem:v13+s18+$0x0], $0xffff  }
0xc5: {  	v22 =	vshll.u32 v9, $0x3;
	v16 =	vand.u32 $0x78, v16;
	v19 =	vand.u32 $0x400, v19;
	v8 =	vld.idx.msk [tilespmem:v8+s2+$0x0], $0xffff  }
0xc6: {  	v16 =	vor.u32 v19, v16;
	v19 =	vand.u32 $0x79, v20;
	v20 =	vshll.u32 v20, $0x3;
	v15 =	vld.idx.msk [tilespmem:v15+s18+$0x0], $0xffff  }
0xc7: {  	v12 =	vadd.f32 v14, v12;
	v16 =	vor.u32 v1, v16;
	v20 =	vand.u32 $0x400, v20;
	v7 =	vld.idx.msk [tilespmem:v7+s2+$0x0], $0xffff  }
0xc8: {  	v14 =	vor.u32 v20, v19;
	v19 =	vand.u32 $0x7A, v17;
	v17 =	vshll.u32 v17, $0x3  }
0xc9: {  	v10 =	vadd.f32 v10, v12;
	v14 =	vor.u32 v1, v14;
	v17 =	vand.u32 $0x400, v17;
	v6 =	vld.idx.msk [tilespmem:v6+s2+$0x0], $0xffff  }
0xca: {  	v12 =	vor.u32 v17, v19;
	v17 =	vand.u32 $0x7B, v18;
	v18 =	vshll.u32 v18, $0x3  }
0xcb: {  	v8 =	vadd.f32 v8, v10;
	v12 =	vor.u32 v1, v12;
	v18 =	vand.u32 $0x400, v18;
	v11 =	vld.idx.msk [tilespmem:v11+s2+$0x0], $0xffff  }
0xcc: {  	v9 =	vand.u32 $0x7C, v9;
	v16 =	vld.idx.msk [tilespmem:v16+s18+$0x0], $0xffff;
	v10 =	vor.u32 v18, v17;
	v17 =	vand.u32 $0x400, v22  }
0xcd: {  	v7 =	vadd.f32 v7, v8;
	v18 =	vor.u32 v1, v10;
	v9 =	vor.u32 v17, v9;
	v17 =	vld.idx.msk [tilespmem:v13+s2+$0x0], $0xffff  }
0xce: {  	v5 =	vand.u32 $0x7D, v5;
	v8 =	vand.u32 $0x400, v21;
	v10 =	vld.idx.msk [tilespmem:v14+s18+$0x0], $0xffff;
	v9 =	vor.u32 v1, v9  }
0xcf: {  	v5 =	vor.u32 v8, v5;
	v13 =	vshll.u32 v4, $0x3;
	v6 =	vadd.f32 v6, v7;
	v19 =	vld.idx.msk [tilespmem:v15+s2+$0x0], $0xffff  }
0xd0: {  	v4 =	vand.u32 $0x7E, v4;
	v8 =	vld.idx.msk [tilespmem:v12+s18+$0x0], $0xffff;
	v12 =	vor.u32 v1, v5;
	v5 =	vand.u32 $0x400, v13  }
.Ltmp7:
0xd1: {  	v11 =	vadd.f32 v11, v6;
	v4 =	vor.u32 v5, v4;
	v5 =	vshll.u32 v3, $0x3;
	(pc) =	sbr.rel @p1 .LBB2_16-.Ltmp7, $4  }
0xd2: {  	v3 =	vand.u32 $0x7F, v3;
	v7 =	vld.idx.msk [tilespmem:v18+s18+$0x0], $0xffff;
	v13 =	vor.u32 v1, v4;
	v4 =	vand.u32 $0x400, v5  }
0xd3: {  	s10 =	sadd.s32 $0xFFFFFFFF, s28;
	v17 =	vadd.f32 v17, v11;
	v6 =	vld.idx.msk [tilespmem:v9+s18+$0x0], $0xffff;
	v5 =	vor.u32 v4, v3  }
0xd4: {  	s9 =	sadd.s32 $0xFFFFFFFC, s28;
	s12 =	sadd.s32 $0xFFFFFFFD, s28;
	s13 =	sadd.s32 $0xFFFFFFFE, s28;
	v4 =	vmov s10;
	v3 =	vmov s28;
	v14 =	vld.idx.msk [tilespmem:v16+s2+$0x0], $0xffff;
	v15 =	vor.u32 v1, v5  }
0xd5: {  	s11 =	sadd.s32 $0xFFFFFFF9, s21;
	s10 =	sadd.s32 $0xFFFFFFFB, s21;
	v9 =	vmov s12;
	s28 =	sadd.s32 $0x8, s28;
	v5 =	vmov s13;
	v11 =	vld.idx.msk [tilespmem:v12+s18+$0x0], $0xffff;
	v12 =	vadd.f32 v19, v17  }
0xd6: {  	_ =	sdelay $0x1  }
0xd7: {  	v16 =	vmov s11;
	v17 =	vmov s10  }
0xd8: {  	s28 =	sadd.s32 $0xFFFFFFFA, s21;
	v18 =	vmov s9;
	v21 =	vshll.u32 v5, $0x3;
	v19 =	vshll.u32 v16, $0x3  }
0xd9: {  	v10 =	vld.idx.msk [tilespmem:v10+s2+$0x0], $0xffff;
	v20 =	vmov s28;
	v16 =	vand.u32 $0x78, v16;
	v19 =	vand.u32 $0x400, v19  }
0xda: {  	v22 =	vshll.u32 v9, $0x3;
	v61 =	vshll.u32 v20, $0x3;
	v16 =	vor.u32 v19, v16  }
0xdb: {  	v13 =	vld.idx.msk [tilespmem:v13+s18+$0x0], $0xffff;
	v20 =	vand.u32 $0x79, v20;
	v19 =	vand.u32 $0x400, v61;
	v16 =	vor.u32 v1, v16  }
0xdc: {  	v8 =	vld.idx.msk [tilespmem:v8+s2+$0x0], $0xffff;
	v62 =	vshll.u32 v17, $0x3;
	v12 =	vadd.f32 v14, v12;
	v14 =	vor.u32 v19, v20  }
0xdd: {  	v15 =	vld.idx.msk [tilespmem:v15+s18+$0x0], $0xffff;
	v17 =	vand.u32 $0x7A, v17;
	v19 =	vand.u32 $0x400, v62;
	v14 =	vor.u32 v1, v14  }
0xde: {  	v7 =	vld.idx.msk [tilespmem:v7+s2+$0x0], $0xffff;
	v10 =	vadd.f32 v10, v12;
	v12 =	vor.u32 v19, v17;
	v17 =	vshll.u32 v18, $0x3  }
0xdf: {  	v6 =	vld.idx.msk [tilespmem:v6+s2+$0x0], $0xffff;
	v18 =	vand.u32 $0x7B, v18;
	v12 =	vor.u32 v1, v12;
	v17 =	vand.u32 $0x400, v17  }
0xe0: {  	v9 =	vand.u32 $0x7C, v9;
	v63 =	vand.u32 $0x400, v22;
	v17 =	vor.u32 v17, v18;
	v16 =	vld.idx.msk [tilespmem:v16+s18+$0x0], $0xffff  }
0xe1: {  	v9 =	vor.u32 v63, v9;
	v8 =	vadd.f32 v8, v10;
	v10 =	vld.idx.msk [tilespmem:v11+s2+$0x0], $0xffff;
	v11 =	vor.u32 v1, v17  }
0xe2: {  	v5 =	vand.u32 $0x7D, v5;
	v9 =	vor.u32 v1, v9;
	v17 =	vand.u32 $0x400, v21;
	v14 =	vld.idx.msk [tilespmem:v14+s18+$0x0], $0xffff  }
0xe3: {  	v7 =	vadd.f32 v7, v8;
	v8 =	vld.idx.msk [tilespmem:v13+s2+$0x0], $0xffff;
	v5 =	vor.u32 v17, v5;
	v13 =	vshll.u32 v4, $0x3  }
0xe4: {  	v4 =	vand.u32 $0x7E, v4;
	v5 =	vor.u32 v1, v5;
	v13 =	vand.u32 $0x400, v13;
	v12 =	vld.idx.msk [tilespmem:v12+s18+$0x0], $0xffff  }
0xe5: {  	v6 =	vadd.f32 v6, v7;
	v7 =	vld.idx.msk [tilespmem:v15+s2+$0x0], $0xffff;
	v4 =	vor.u32 v13, v4;
	v13 =	vshll.u32 v3, $0x3  }
0xe6: {  	v3 =	vand.u32 $0x7F, v3;
	v4 =	vor.u32 v1, v4;
	v13 =	vand.u32 $0x400, v13;
	v11 =	vld.idx.msk [tilespmem:v11+s18+$0x0], $0xffff  }
0xe7: {  	v9 =	vld.idx.msk [tilespmem:v9+s18+$0x0], $0xffff;
	v6 =	vadd.f32 v10, v6;
	v3 =	vor.u32 v13, v3  }
0xe8: {  	v3 =	vor.u32 v1, v3;
	v10 =	vld.idx.msk [tilespmem:v16+s2+$0x0], $0xffff  }
0xe9: {  	v6 =	vadd.f32 v8, v6;
	v5 =	vld.idx.msk [tilespmem:v5+s18+$0x0], $0xffff  }
0xea: {  	v8 =	vld.idx.msk [tilespmem:v14+s2+$0x0], $0xffff  }
0xeb: {  	v6 =	vadd.f32 v7, v6;
	v4 =	vld.idx.msk [tilespmem:v4+s18+$0x0], $0xffff  }
0xec: {  	v7 =	vld.idx.msk [tilespmem:v12+s2+$0x0], $0xffff  }
0xed: {  	v3 =	vld.idx.msk [tilespmem:v3+s18+$0x0], $0xffff;
	v6 =	vadd.f32 v10, v6  }
0xee: {  	v10 =	vld.idx.msk [tilespmem:v11+s2+$0x0], $0xffff  }
0xef: {  	v6 =	vadd.f32 v8, v6  }
0xf0: {  	v8 =	vld.idx.msk [tilespmem:v9+s2+$0x0], $0xffff  }
0xf1: {  	v6 =	vadd.f32 v7, v6  }
0xf2: {  	v5 =	vld.idx.msk [tilespmem:v5+s2+$0x0], $0xffff  }
0xf3: {  	v6 =	vadd.f32 v10, v6  }
0xf4: {  	v4 =	vld.idx.msk [tilespmem:v4+s2+$0x0], $0xffff  }
0xf5: {  	v6 =	vadd.f32 v8, v6  }
0xf6: {  	v3 =	vld.idx.msk [tilespmem:v3+s2+$0x0], $0xffff  }
0xf7: {  	v5 =	vadd.f32 v5, v6;
	_ =	sdelay $0x1  }
0xf8: {  	v4 =	vadd.f32 v4, v5  }
0xf9: {  	s12 =	simm.s32 $0x0;
	s28 =	simm.s32 $0x2  }
0xfa: {  	s11 =	simm.s32 $0x3;
	v8 =	vmov s28;
	v3 =	vadd.f32 v3, v4;
	v4 =	vmov s12  }
0xfb: {  	v9 =	vmov s11;
	v11 =	vshll.u32 v8, $0x3;
	s12 =	simm.s32 $0x1;
	v7 =	vshll.u32 v4, $0x3  }
0xfc: {  	s13 =	simm.s32 $0x4;
	v4 =	vand.u32 $0x78, v4;
	v10 =	vmov s12;
	v7 =	vand.u32 $0x400, v7  }
0xfd: {  	v5 =	vmov s13;
	v4 =	vor.u32 v7, v4;
	v7 =	vshll.u32 v10, $0x3  }
0xfe: {  	[tilespmem:s3+$0x1DD10] =	vst v3;
	v10 =	vand.u32 $0x79, v10;
	v4 =	vor.u32 v2, v4;
	v7 =	vand.u32 $0x400, v7  }
0xff: {  	s0 =	sadd.s32 s15, s0;
	v8 =	vand.u32 $0x7A, v8;
	v3 =	vshll.u32 v5, $0x3;
	_ =	swait.ge [sflag:s26], $0x1000;
	v7 =	vor.u32 v7, v10  }
0x100: {  	s0 =	sshrl.u32 s0, $0x3;
	v5 =	vand.u32 $0x7C, v5;
	[sflag:s26] =	ssyncset.done $0x0;
	v10 =	vand.u32 $0x400, v11;
	v7 =	vor.u32 v2, v7  }
0x101: {  	s21 =	simm.s32 $0x5;
	s0 =	sadd.s32 s4, s0;
	v3 =	vand.u32 $0x400, v3;
	[sflag:s26] =	ssyncadd.s32 $0xFFFFF000;
	v8 =	vor.u32 v10, v8;
	v10 =	vshll.u32 v9, $0x3  }
0x102: {  	[tilespmem:s19], [sflag:$0x2] =	stream.linear.gather [hbm4b:s0+s2], $0x1000, $0x38;
	v9 =	vand.u32 $0x7B, v9;
	v8 =	vor.u32 v2, v8;
	v10 =	vand.u32 $0x400, v10;
	[tilespmem:$0x1F780] =	vst v63  }
0x103: {  	v6 =	vmov s21;
	v3 =	vor.u32 v3, v5;
	v11 =	vld.idx.msk [tilespmem:v4+s18+$0x0], $0xffff;
	v4 =	vor.u32 v10, v9  }
0x104: {  	s13 =	simm.s32 $0x6;
	v5 =	vand.u32 $0x7D, v6;
	v9 =	vshll.u32 v6, $0x3;
	v4 =	vor.u32 v2, v4  }
0x105: {  	v3 =	vor.u32 v2, v3;
	v6 =	vand.u32 $0x400, v9;
	v9 =	vmov s13;
	v10 =	vld.idx.msk [tilespmem:v7+s18+$0x0], $0xffff  }
0x106: {  	s21 =	simm.s32 $0x7;
	v5 =	vor.u32 v6, v5;
	v6 =	vshll.u32 v9, $0x3;
	v7 =	vand.u32 $0x7E, v9  }
0x107: {  	v16 =	vor.u32 v2, v5;
	v5 =	vmov s21;
	v8 =	vld.idx.msk [tilespmem:v8+s18+$0x0], $0xffff;
	v6 =	vand.u32 $0x400, v6  }
0x108: {  	v6 =	vor.u32 v6, v7;
	v9 =	vshll.u32 v5, $0x3  }
0x109: {  	v13 =	vor.u32 v2, v6;
	v7 =	vld.idx.msk [tilespmem:v4+s18+$0x0], $0xffff;
	v4 =	vand.u32 $0x7F, v5;
	v5 =	vand.u32 $0x400, v9  }
0x10a: {  	s9 =	simm.s32 $0xB;
	s0 =	simm.s32 $0xF;
	v6 =	vld.idx.msk [tilespmem:v3+s18+$0x0], $0xffff;
	v5 =	vor.u32 v5, v4  }
0x10b: {  	v12 =	vimm.f32 $0.0e+00;
	s28 =	simm.s32 $0xE;
	s12 =	simm.s32 $0xC;
	s13 =	simm.s32 $0xD;
	v3 =	vmov s0;
	v14 =	vld.idx.msk [tilespmem:v11+s2+$0x0], $0xffff;
	v15 =	vor.u32 v2, v5  }
0x10c: {  	s10 =	simm.s32 $0xA;
	s11 =	simm.s32 $0x8;
	s3 =	simm.s32 $0x17;
	v9 =	vmov s12;
	v4 =	vmov s28;
	v5 =	vmov s13;
	v11 =	vld.idx.msk [tilespmem:v16+s18+$0x0], $0xffff  }
.LBB2_18:
0x10d: {  	p1 =	sne.s32 s3, $0xC7;
	v16 =	vmov s11;
	s11 =	sadd.s32 $0xFFFFFFFA, s0;
	v17 =	vmov s10;
	v18 =	vmov s9;
	v10 =	vld.idx.msk [tilespmem:v10+s2+$0x0], $0xffff;
	s0 =	smov.u32 s3  }
0x10e: {  	v21 =	vshll.u32 v5, $0x3;
	v19 =	vshll.u32 v16, $0x3;
	v20 =	vmov s11;
	v13 =	vld.idx.msk [tilespmem:v13+s18+$0x0], $0xffff  }
0x10f: {  	v22 =	vshll.u32 v9, $0x3;
	v16 =	vand.u32 $0x78, v16;
	v19 =	vand.u32 $0x400, v19;
	v8 =	vld.idx.msk [tilespmem:v8+s2+$0x0], $0xffff  }
0x110: {  	v16 =	vor.u32 v19, v16;
	v19 =	vand.u32 $0x79, v20;
	v20 =	vshll.u32 v20, $0x3;
	v15 =	vld.idx.msk [tilespmem:v15+s18+$0x0], $0xffff  }
0x111: {  	v12 =	vadd.f32 v14, v12;
	v16 =	vor.u32 v2, v16;
	v20 =	vand.u32 $0x400, v20;
	v7 =	vld.idx.msk [tilespmem:v7+s2+$0x0], $0xffff  }
0x112: {  	v14 =	vor.u32 v20, v19;
	v19 =	vand.u32 $0x7A, v17;
	v17 =	vshll.u32 v17, $0x3  }
0x113: {  	v10 =	vadd.f32 v10, v12;
	v14 =	vor.u32 v2, v14;
	v17 =	vand.u32 $0x400, v17;
	v6 =	vld.idx.msk [tilespmem:v6+s2+$0x0], $0xffff  }
0x114: {  	v12 =	vor.u32 v17, v19;
	v17 =	vand.u32 $0x7B, v18;
	v18 =	vshll.u32 v18, $0x3  }
0x115: {  	v8 =	vadd.f32 v8, v10;
	v12 =	vor.u32 v2, v12;
	v18 =	vand.u32 $0x400, v18;
	v11 =	vld.idx.msk [tilespmem:v11+s2+$0x0], $0xffff  }
0x116: {  	v9 =	vand.u32 $0x7C, v9;
	v16 =	vld.idx.msk [tilespmem:v16+s18+$0x0], $0xffff;
	v10 =	vor.u32 v18, v17;
	v17 =	vand.u32 $0x400, v22  }
0x117: {  	v7 =	vadd.f32 v7, v8;
	v18 =	vor.u32 v2, v10;
	v9 =	vor.u32 v17, v9;
	v17 =	vld.idx.msk [tilespmem:v13+s2+$0x0], $0xffff  }
0x118: {  	v5 =	vand.u32 $0x7D, v5;
	v8 =	vand.u32 $0x400, v21;
	v10 =	vld.idx.msk [tilespmem:v14+s18+$0x0], $0xffff;
	v9 =	vor.u32 v2, v9  }
0x119: {  	v5 =	vor.u32 v8, v5;
	v13 =	vshll.u32 v4, $0x3;
	v6 =	vadd.f32 v6, v7;
	v19 =	vld.idx.msk [tilespmem:v15+s2+$0x0], $0xffff  }
0x11a: {  	v4 =	vand.u32 $0x7E, v4;
	v8 =	vld.idx.msk [tilespmem:v12+s18+$0x0], $0xffff;
	v12 =	vor.u32 v2, v5;
	v5 =	vand.u32 $0x400, v13  }
.Ltmp8:
0x11b: {  	v11 =	vadd.f32 v11, v6;
	v4 =	vor.u32 v5, v4;
	v5 =	vshll.u32 v3, $0x3;
	(pc) =	sbr.rel @p1 .LBB2_18-.Ltmp8, $4  }
0x11c: {  	v3 =	vand.u32 $0x7F, v3;
	v7 =	vld.idx.msk [tilespmem:v18+s18+$0x0], $0xffff;
	v13 =	vor.u32 v2, v4;
	v4 =	vand.u32 $0x400, v5  }
0x11d: {  	s10 =	sadd.s32 $0xFFFFFFFF, s3;
	v17 =	vadd.f32 v17, v11;
	v6 =	vld.idx.msk [tilespmem:v9+s18+$0x0], $0xffff;
	v5 =	vor.u32 v4, v3  }
0x11e: {  	s9 =	sadd.s32 $0xFFFFFFFC, s3;
	s12 =	sadd.s32 $0xFFFFFFFD, s3;
	s13 =	sadd.s32 $0xFFFFFFFE, s3;
	v4 =	vmov s10;
	v3 =	vmov s3;
	v14 =	vld.idx.msk [tilespmem:v16+s2+$0x0], $0xffff;
	v15 =	vor.u32 v2, v5  }
0x11f: {  	s11 =	sadd.s32 $0xFFFFFFF9, s0;
	s10 =	sadd.s32 $0xFFFFFFFB, s0;
	v9 =	vmov s12;
	s3 =	sadd.s32 $0x8, s3;
	v5 =	vmov s13;
	v11 =	vld.idx.msk [tilespmem:v12+s18+$0x0], $0xffff;
	v12 =	vadd.f32 v19, v17  }
0x120: {  	_ = 	snop  }
0x121: {  	v16 =	vmov s11;
	v17 =	vmov s10  }
0x122: {  	s0 =	sadd.s32 $0xFFFFFFFA, s0;
	v18 =	vmov s9;
	v21 =	vshll.u32 v5, $0x3;
	v19 =	vshll.u32 v16, $0x3  }
0x123: {  	v20 =	vmov s0;
	v16 =	vand.u32 $0x78, v16;
	v19 =	vand.u32 $0x400, v19  }
0x124: {  	v10 =	vld.idx.msk [tilespmem:v10+s2+$0x0], $0xffff;
	v22 =	vshll.u32 v9, $0x3;
	v43 =	vshll.u32 v20, $0x3;
	v16 =	vor.u32 v19, v16  }
0x125: {  	v13 =	vld.idx.msk [tilespmem:v13+s18+$0x0], $0xffff;
	v20 =	vand.u32 $0x79, v20;
	v19 =	vand.u32 $0x400, v43;
	v16 =	vor.u32 v2, v16  }
0x126: {  	v8 =	vld.idx.msk [tilespmem:v8+s2+$0x0], $0xffff;
	v45 =	vshll.u32 v17, $0x3;
	v17 =	vand.u32 $0x7A, v17;
	v44 =	vor.u32 v19, v20  }
0x127: {  	v15 =	vld.idx.msk [tilespmem:v15+s18+$0x0], $0xffff;
	v12 =	vadd.f32 v14, v12;
	v19 =	vand.u32 $0x400, v45;
	v14 =	vor.u32 v2, v44  }
0x128: {  	v7 =	vld.idx.msk [tilespmem:v7+s2+$0x0], $0xffff;
	v47 =	vshll.u32 v18, $0x3;
	v18 =	vand.u32 $0x7B, v18;
	v46 =	vor.u32 v19, v17  }
0x129: {  	v6 =	vld.idx.msk [tilespmem:v6+s2+$0x0], $0xffff;
	v10 =	vadd.f32 v10, v12;
	v17 =	vand.u32 $0x400, v47;
	v12 =	vor.u32 v2, v46  }
0x12a: {  	v48 =	vand.u32 $0x7C, v9;
	v49 =	vand.u32 $0x400, v22;
	v17 =	vor.u32 v17, v18;
	v16 =	vld.idx.msk [tilespmem:v16+s18+$0x0], $0xffff  }
0x12b: {  	v9 =	vor.u32 v49, v48;
	v50 =	vld.idx.msk [tilespmem:v11+s2+$0x0], $0xffff;
	v8 =	vadd.f32 v8, v10;
	v51 =	vor.u32 v2, v17  }
0x12c: {  	v52 =	vand.u32 $0x7D, v5;
	v53 =	vand.u32 $0x400, v21;
	v9 =	vor.u32 v2, v9;
	v14 =	vld.idx.msk [tilespmem:v14+s18+$0x0], $0xffff  }
0x12d: {  	v55 =	vshll.u32 v4, $0x3;
	v5 =	vor.u32 v53, v52;
	v54 =	vld.idx.msk [tilespmem:v13+s2+$0x0], $0xffff;
	v7 =	vadd.f32 v7, v8  }
0x12e: {  	v56 =	vand.u32 $0x7E, v4;
	v5 =	vor.u32 v2, v5;
	v13 =	vand.u32 $0x400, v55;
	v12 =	vld.idx.msk [tilespmem:v12+s18+$0x0], $0xffff  }
0x12f: {  	v58 =	vshll.u32 v3, $0x3;
	v57 =	vld.idx.msk [tilespmem:v15+s2+$0x0], $0xffff;
	v4 =	vor.u32 v13, v56;
	v6 =	vadd.f32 v6, v7  }
0x130: {  	v3 =	vand.u32 $0x7F, v3;
	v13 =	vand.u32 $0x400, v58;
	v4 =	vor.u32 v2, v4;
	v11 =	vld.idx.msk [tilespmem:v51+s18+$0x0], $0xffff  }
0x131: {  	v9 =	vld.idx.msk [tilespmem:v9+s18+$0x0], $0xffff;
	v3 =	vor.u32 v13, v3;
	v6 =	vadd.f32 v50, v6  }
0x132: {  	v3 =	vor.u32 v2, v3;
	v59 =	vld.idx.msk [tilespmem:v16+s2+$0x0], $0xffff  }
0x133: {  	v5 =	vld.idx.msk [tilespmem:v5+s18+$0x0], $0xffff;
	v6 =	vadd.f32 v54, v6  }
0x134: {  	v60 =	vld.idx.msk [tilespmem:v14+s2+$0x0], $0xffff  }
0x135: {  	v4 =	vld.idx.msk [tilespmem:v4+s18+$0x0], $0xffff;
	v6 =	vadd.f32 v57, v6  }
0x136: {  	v61 =	vld.idx.msk [tilespmem:v12+s2+$0x0], $0xffff  }
0x137: {  	v3 =	vld.idx.msk [tilespmem:v3+s18+$0x0], $0xffff;
	v6 =	vadd.f32 v59, v6  }
0x138: {  	v62 =	vld.idx.msk [tilespmem:v11+s2+$0x0], $0xffff  }
0x139: {  	v6 =	vadd.f32 v60, v6  }
0x13a: {  	v63 =	vld.idx.msk [tilespmem:v9+s2+$0x0], $0xffff  }
0x13b: {  	v6 =	vadd.f32 v61, v6  }
0x13c: {  	v5 =	vld.idx.msk [tilespmem:v5+s2+$0x0], $0xffff  }
0x13d: {  	v6 =	vadd.f32 v62, v6  }
0x13e: {  	v4 =	vld.idx.msk [tilespmem:v4+s2+$0x0], $0xffff  }
0x13f: {  	v6 =	vadd.f32 v63, v6  }
0x140: {  	v3 =	vld.idx.msk [tilespmem:v3+s2+$0x0], $0xffff  }
0x141: {  	s30 =	sadd.s32 $0x1, s30;
	v5 =	vadd.f32 v5, v6  }
0x142: {  	p1 =	sne.s32 s30, $0xA  }
.Ltmp9:
0x143: {  	v4 =	vadd.f32 v4, v5;
	(pc) =	sbr.rel @p1 .LBB2_13-.Ltmp9, $4  }
0x144: {  	_ = 	snop  }
0x145: {  	s31 =	sshll.u32 s31, $0x4;
	v3 =	vadd.f32 v3, v4  }
0x146: {  	s0 =	sand.u32 $0x3FFFFFF0, s31  }
0x147: {  	[tilespmem:s0+$0x1DD00] =	vst v3  }
0x148: {  	s0 =	simm.s32 $0x0;
	s3 =	simm.s32 $0x4  }
0x149: {  	s9 =	simm.s32 $0x5;
	s12 =	simm.s32 $0x2;
	v3 =	vmov s0;
	v4 =	vmov s3  }
0x14a: {  	s21 =	simm.s32 $0x1;
	v5 =	vmov s9;
	v7 =	vmov s12;
	v6 =	vshll.u32 v3, $0x3  }
0x14b: {  	v9 =	vmov s21;
	v3 =	vand.u32 $0x78, v3;
	v6 =	vand.u32 $0x400, v6  }
0x14c: {  	v10 =	vshll.u32 v9, $0x3;
	v9 =	vand.u32 $0x79, v9;
	v3 =	vor.u32 v6, v3  }
0x14d: {  	v11 =	vshll.u32 v7, $0x3;
	v10 =	vand.u32 $0x400, v10;
	v3 =	vor.u32 v0, v3  }
0x14e: {  	s13 =	simm.s32 $0x3;
	v7 =	vand.u32 $0x7A, v7;
	v9 =	vor.u32 v10, v9;
	v10 =	vand.u32 $0x400, v11  }
0x14f: {  	_ =	swait.ge [sflag:s23], $0x1000;
	s28 =	simm.s32 $0x6;
	v8 =	vmov s13;
	v9 =	vor.u32 v0, v9;
	v7 =	vor.u32 v10, v7  }
0x150: {  	[sflag:s23] =	ssyncset.done $0x0;
	v12 =	vmov s28;
	v10 =	vshll.u32 v8, $0x3;
	v7 =	vor.u32 v0, v7  }
0x151: {  	[sflag:s23] =	ssyncadd.s32 $0xFFFFF000;
	v6 =	vshll.u32 v4, $0x3;
	v8 =	vand.u32 $0x7B, v8;
	v10 =	vand.u32 $0x400, v10  }
0x152: {  	v4 =	vand.u32 $0x7C, v4;
	v6 =	vand.u32 $0x400, v6;
	v11 =	vld.idx.msk [tilespmem:v3+s18+$0x0], $0xffff;
	v3 =	vor.u32 v10, v8  }
0x153: {  	v4 =	vor.u32 v6, v4;
	v8 =	vshll.u32 v5, $0x3;
	v3 =	vor.u32 v0, v3  }
0x154: {  	v4 =	vor.u32 v0, v4;
	v5 =	vand.u32 $0x7D, v5;
	v10 =	vld.idx.msk [tilespmem:v9+s18+$0x0], $0xffff;
	v6 =	vand.u32 $0x400, v8  }
0x155: {  	s30 =	simm.s32 $0x7;
	v8 =	vld.idx.msk [tilespmem:v7+s18+$0x0], $0xffff;
	v7 =	vand.u32 $0x7E, v12;
	v5 =	vor.u32 v6, v5;
	v6 =	vshll.u32 v12, $0x3  }
0x156: {  	v16 =	vor.u32 v0, v5;
	v5 =	vmov s30;
	v6 =	vand.u32 $0x400, v6  }
0x157: {  	v6 =	vor.u32 v6, v7;
	v9 =	vshll.u32 v5, $0x3  }
0x158: {  	v13 =	vor.u32 v0, v6;
	v7 =	vld.idx.msk [tilespmem:v3+s18+$0x0], $0xffff;
	v3 =	vand.u32 $0x7F, v5;
	v5 =	vand.u32 $0x400, v9  }
0x159: {  	s31 =	simm.s32 $0xE;
	s11 =	simm.s32 $0x8;
	v6 =	vld.idx.msk [tilespmem:v4+s18+$0x0], $0xffff;
	v5 =	vor.u32 v5, v3  }
0x15a: {  	s0 =	simm.s32 $0xF;
	s12 =	simm.s32 $0xC;
	s13 =	simm.s32 $0xD;
	v12 =	vimm.f32 $0.0e+00;
	v4 =	vmov s31;
	v14 =	vld.idx.msk [tilespmem:v11+s2+$0x0], $0xffff;
	v15 =	vor.u32 v0, v5  }
0x15b: {  	s10 =	simm.s32 $0xA;
	s9 =	simm.s32 $0xB;
	s3 =	simm.s32 $0x17;
	v9 =	vmov s12;
	v3 =	vmov s0;
	v5 =	vmov s13;
	v11 =	vld.idx.msk [tilespmem:v16+s18+$0x0], $0xffff  }
.LBB2_21:
0x15c: {  	p1 =	sne.s32 s3, $0xC7;
	v16 =	vmov s11;
	s11 =	sadd.s32 $0xFFFFFFFA, s0;
	v17 =	vmov s10;
	v18 =	vmov s9;
	v10 =	vld.idx.msk [tilespmem:v10+s2+$0x0], $0xffff;
	s0 =	smov.u32 s3  }
0x15d: {  	v21 =	vshll.u32 v5, $0x3;
	v19 =	vshll.u32 v16, $0x3;
	v20 =	vmov s11;
	v13 =	vld.idx.msk [tilespmem:v13+s18+$0x0], $0xffff  }
0x15e: {  	v22 =	vshll.u32 v9, $0x3;
	v16 =	vand.u32 $0x78, v16;
	v19 =	vand.u32 $0x400, v19;
	v8 =	vld.idx.msk [tilespmem:v8+s2+$0x0], $0xffff  }
0x15f: {  	v16 =	vor.u32 v19, v16;
	v19 =	vand.u32 $0x79, v20;
	v20 =	vshll.u32 v20, $0x3;
	v15 =	vld.idx.msk [tilespmem:v15+s18+$0x0], $0xffff  }
0x160: {  	v12 =	vadd.f32 v14, v12;
	v16 =	vor.u32 v0, v16;
	v20 =	vand.u32 $0x400, v20;
	v7 =	vld.idx.msk [tilespmem:v7+s2+$0x0], $0xffff  }
0x161: {  	v14 =	vor.u32 v20, v19;
	v19 =	vand.u32 $0x7A, v17;
	v17 =	vshll.u32 v17, $0x3  }
0x162: {  	v10 =	vadd.f32 v10, v12;
	v14 =	vor.u32 v0, v14;
	v17 =	vand.u32 $0x400, v17;
	v6 =	vld.idx.msk [tilespmem:v6+s2+$0x0], $0xffff  }
0x163: {  	v12 =	vor.u32 v17, v19;
	v17 =	vand.u32 $0x7B, v18;
	v18 =	vshll.u32 v18, $0x3  }
0x164: {  	v8 =	vadd.f32 v8, v10;
	v12 =	vor.u32 v0, v12;
	v18 =	vand.u32 $0x400, v18;
	v11 =	vld.idx.msk [tilespmem:v11+s2+$0x0], $0xffff  }
0x165: {  	v9 =	vand.u32 $0x7C, v9;
	v16 =	vld.idx.msk [tilespmem:v16+s18+$0x0], $0xffff;
	v10 =	vor.u32 v18, v17;
	v17 =	vand.u32 $0x400, v22  }
0x166: {  	v7 =	vadd.f32 v7, v8;
	v18 =	vor.u32 v0, v10;
	v9 =	vor.u32 v17, v9;
	v17 =	vld.idx.msk [tilespmem:v13+s2+$0x0], $0xffff  }
0x167: {  	v5 =	vand.u32 $0x7D, v5;
	v8 =	vand.u32 $0x400, v21;
	v10 =	vld.idx.msk [tilespmem:v14+s18+$0x0], $0xffff;
	v9 =	vor.u32 v0, v9  }
0x168: {  	v5 =	vor.u32 v8, v5;
	v13 =	vshll.u32 v4, $0x3;
	v6 =	vadd.f32 v6, v7;
	v19 =	vld.idx.msk [tilespmem:v15+s2+$0x0], $0xffff  }
0x169: {  	v4 =	vand.u32 $0x7E, v4;
	v8 =	vld.idx.msk [tilespmem:v12+s18+$0x0], $0xffff;
	v12 =	vor.u32 v0, v5;
	v5 =	vand.u32 $0x400, v13  }
.Ltmp10:
0x16a: {  	v11 =	vadd.f32 v11, v6;
	v4 =	vor.u32 v5, v4;
	v5 =	vshll.u32 v3, $0x3;
	(pc) =	sbr.rel @p1 .LBB2_21-.Ltmp10, $4  }
0x16b: {  	v3 =	vand.u32 $0x7F, v3;
	v7 =	vld.idx.msk [tilespmem:v18+s18+$0x0], $0xffff;
	v13 =	vor.u32 v0, v4;
	v4 =	vand.u32 $0x400, v5  }
0x16c: {  	s10 =	sadd.s32 $0xFFFFFFFF, s3;
	v17 =	vadd.f32 v17, v11;
	v6 =	vld.idx.msk [tilespmem:v9+s18+$0x0], $0xffff;
	v5 =	vor.u32 v4, v3  }
0x16d: {  	s9 =	sadd.s32 $0xFFFFFFFC, s3;
	s12 =	sadd.s32 $0xFFFFFFFD, s3;
	s13 =	sadd.s32 $0xFFFFFFFE, s3;
	v4 =	vmov s10;
	v3 =	vmov s3;
	v14 =	vld.idx.msk [tilespmem:v16+s2+$0x0], $0xffff;
	v15 =	vor.u32 v0, v5  }
0x16e: {  	s11 =	sadd.s32 $0xFFFFFFF9, s0;
	s10 =	sadd.s32 $0xFFFFFFFB, s0;
	v9 =	vmov s12;
	s3 =	sadd.s32 $0x8, s3;
	v5 =	vmov s13;
	v11 =	vld.idx.msk [tilespmem:v12+s18+$0x0], $0xffff;
	v12 =	vadd.f32 v19, v17  }
0x16f: {  	_ =	sdelay $0x1  }
0x170: {  	v16 =	vmov s11;
	v17 =	vmov s10  }
0x171: {  	s0 =	sadd.s32 $0xFFFFFFFA, s0;
	v18 =	vmov s9;
	v21 =	vshll.u32 v5, $0x3;
	v19 =	vshll.u32 v16, $0x3  }
0x172: {  	v10 =	vld.idx.msk [tilespmem:v10+s2+$0x0], $0xffff;
	v20 =	vmov s0;
	v16 =	vand.u32 $0x78, v16;
	v19 =	vand.u32 $0x400, v19  }
0x173: {  	v22 =	vshll.u32 v9, $0x3;
	v61 =	vshll.u32 v20, $0x3;
	v16 =	vor.u32 v19, v16  }
0x174: {  	v13 =	vld.idx.msk [tilespmem:v13+s18+$0x0], $0xffff;
	v20 =	vand.u32 $0x79, v20;
	v19 =	vand.u32 $0x400, v61;
	v16 =	vor.u32 v0, v16  }
0x175: {  	v8 =	vld.idx.msk [tilespmem:v8+s2+$0x0], $0xffff;
	v62 =	vshll.u32 v17, $0x3;
	v12 =	vadd.f32 v14, v12;
	v14 =	vor.u32 v19, v20  }
0x176: {  	v15 =	vld.idx.msk [tilespmem:v15+s18+$0x0], $0xffff;
	v17 =	vand.u32 $0x7A, v17;
	v19 =	vand.u32 $0x400, v62;
	v14 =	vor.u32 v0, v14  }
0x177: {  	v7 =	vld.idx.msk [tilespmem:v7+s2+$0x0], $0xffff;
	v10 =	vadd.f32 v10, v12;
	v12 =	vor.u32 v19, v17;
	v17 =	vshll.u32 v18, $0x3  }
0x178: {  	v6 =	vld.idx.msk [tilespmem:v6+s2+$0x0], $0xffff;
	v18 =	vand.u32 $0x7B, v18;
	v12 =	vor.u32 v0, v12;
	v17 =	vand.u32 $0x400, v17  }
0x179: {  	v9 =	vand.u32 $0x7C, v9;
	v63 =	vand.u32 $0x400, v22;
	v17 =	vor.u32 v17, v18;
	v16 =	vld.idx.msk [tilespmem:v16+s18+$0x0], $0xffff  }
0x17a: {  	v9 =	vor.u32 v63, v9;
	v8 =	vadd.f32 v8, v10;
	v10 =	vld.idx.msk [tilespmem:v11+s2+$0x0], $0xffff;
	v11 =	vor.u32 v0, v17  }
0x17b: {  	v5 =	vand.u32 $0x7D, v5;
	v9 =	vor.u32 v0, v9;
	v17 =	vand.u32 $0x400, v21;
	v14 =	vld.idx.msk [tilespmem:v14+s18+$0x0], $0xffff  }
0x17c: {  	v7 =	vadd.f32 v7, v8;
	v8 =	vld.idx.msk [tilespmem:v13+s2+$0x0], $0xffff;
	v5 =	vor.u32 v17, v5;
	v13 =	vshll.u32 v4, $0x3  }
0x17d: {  	v4 =	vand.u32 $0x7E, v4;
	v5 =	vor.u32 v0, v5;
	v13 =	vand.u32 $0x400, v13;
	v12 =	vld.idx.msk [tilespmem:v12+s18+$0x0], $0xffff  }
0x17e: {  	v6 =	vadd.f32 v6, v7;
	v7 =	vld.idx.msk [tilespmem:v15+s2+$0x0], $0xffff;
	v4 =	vor.u32 v13, v4;
	v13 =	vshll.u32 v3, $0x3  }
0x17f: {  	v3 =	vand.u32 $0x7F, v3;
	v4 =	vor.u32 v0, v4;
	v13 =	vand.u32 $0x400, v13;
	v11 =	vld.idx.msk [tilespmem:v11+s18+$0x0], $0xffff  }
0x180: {  	v9 =	vld.idx.msk [tilespmem:v9+s18+$0x0], $0xffff;
	v6 =	vadd.f32 v10, v6;
	v3 =	vor.u32 v13, v3  }
0x181: {  	v3 =	vor.u32 v0, v3;
	v10 =	vld.idx.msk [tilespmem:v16+s2+$0x0], $0xffff  }
0x182: {  	v6 =	vadd.f32 v8, v6;
	v5 =	vld.idx.msk [tilespmem:v5+s18+$0x0], $0xffff  }
0x183: {  	v8 =	vld.idx.msk [tilespmem:v14+s2+$0x0], $0xffff  }
0x184: {  	v6 =	vadd.f32 v7, v6;
	v4 =	vld.idx.msk [tilespmem:v4+s18+$0x0], $0xffff  }
0x185: {  	v7 =	vld.idx.msk [tilespmem:v12+s2+$0x0], $0xffff  }
0x186: {  	v3 =	vld.idx.msk [tilespmem:v3+s18+$0x0], $0xffff;
	v6 =	vadd.f32 v10, v6  }
0x187: {  	v10 =	vld.idx.msk [tilespmem:v11+s2+$0x0], $0xffff  }
0x188: {  	v6 =	vadd.f32 v8, v6  }
0x189: {  	v8 =	vld.idx.msk [tilespmem:v9+s2+$0x0], $0xffff  }
0x18a: {  	v6 =	vadd.f32 v7, v6  }
0x18b: {  	v5 =	vld.idx.msk [tilespmem:v5+s2+$0x0], $0xffff  }
0x18c: {  	v6 =	vadd.f32 v10, v6  }
0x18d: {  	v4 =	vld.idx.msk [tilespmem:v4+s2+$0x0], $0xffff  }
0x18e: {  	v6 =	vadd.f32 v8, v6  }
0x18f: {  	v3 =	vld.idx.msk [tilespmem:v3+s2+$0x0], $0xffff  }
0x190: {  	v5 =	vadd.f32 v5, v6;
	_ =	sdelay $0x1  }
0x191: {  	v4 =	vadd.f32 v4, v5  }
0x192: {  	s10 =	simm.s32 $0x0;
	s21 =	simm.s32 $0x1  }
0x193: {  	s13 =	simm.s32 $0x3;
	v10 =	vmov s21;
	v3 =	vadd.f32 v3, v4;
	v4 =	vmov s10  }
0x194: {  	s12 =	simm.s32 $0x2;
	v9 =	vmov s13;
	v11 =	vshll.u32 v10, $0x3;
	v7 =	vshll.u32 v4, $0x3  }
0x195: {  	s3 =	simm.s32 $0x4;
	v8 =	vmov s12;
	v4 =	vand.u32 $0x78, v4;
	v7 =	vand.u32 $0x400, v7  }
0x196: {  	v5 =	vmov s3;
	[tilespmem:$0x1DEE0] =	vst v3;
	v3 =	vand.u32 $0x79, v10;
	v4 =	vor.u32 v7, v4  }
0x197: {  	v10 =	vand.u32 $0x400, v11;
	v11 =	vshll.u32 v8, $0x3;
	v4 =	vor.u32 v1, v4  }
0x198: {  	v8 =	vand.u32 $0x7A, v8;
	v7 =	vshll.u32 v5, $0x3;
	v3 =	vor.u32 v10, v3  }
0x199: {  	_ =	swait.ge [sflag:s25], $0x1000;
	v10 =	vand.u32 $0x400, v11;
	v5 =	vand.u32 $0x7C, v5;
	v3 =	vor.u32 v1, v3  }
0x19a: {  	[sflag:s25] =	ssyncset.done $0x0;
	v8 =	vor.u32 v10, v8;
	v10 =	vshll.u32 v9, $0x3;
	v9 =	vand.u32 $0x7B, v9  }
0x19b: {  	s11 =	simm.s32 $0x5;
	v7 =	vand.u32 $0x400, v7;
	[sflag:s25] =	ssyncadd.s32 $0xFFFFF000;
	v8 =	vor.u32 v1, v8;
	v10 =	vand.u32 $0x400, v10  }
0x19c: {  	v6 =	vmov s11;
	v5 =	vor.u32 v7, v5;
	v11 =	vld.idx.msk [tilespmem:v4+s18+$0x0], $0xffff;
	v4 =	vor.u32 v10, v9  }
0x19d: {  	s28 =	simm.s32 $0x6;
	v5 =	vor.u32 v1, v5;
	v9 =	vshll.u32 v6, $0x3;
	v4 =	vor.u32 v1, v4  }
0x19e: {  	v6 =	vand.u32 $0x7D, v6;
	v10 =	vld.idx.msk [tilespmem:v3+s18+$0x0], $0xffff;
	v7 =	vand.u32 $0x400, v9;
	v9 =	vmov s28  }
0x19f: {  	s30 =	simm.s32 $0x7;
	v6 =	vor.u32 v7, v6;
	v3 =	vshll.u32 v9, $0x3;
	v7 =	vand.u32 $0x7E, v9  }
0x1a0: {  	v8 =	vld.idx.msk [tilespmem:v8+s18+$0x0], $0xffff;
	v16 =	vor.u32 v1, v6;
	v6 =	vmov s30;
	v3 =	vand.u32 $0x400, v3  }
0x1a1: {  	v3 =	vor.u32 v3, v7;
	v9 =	vshll.u32 v6, $0x3  }
0x1a2: {  	v13 =	vor.u32 v1, v3;
	v3 =	vand.u32 $0x7F, v6;
	v7 =	vld.idx.msk [tilespmem:v4+s18+$0x0], $0xffff;
	v4 =	vand.u32 $0x400, v9  }
0x1a3: {  	s31 =	simm.s32 $0xE;
	s12 =	simm.s32 $0xC;
	v6 =	vld.idx.msk [tilespmem:v5+s18+$0x0], $0xffff;
	v5 =	vor.u32 v4, v3  }
0x1a4: {  	s9 =	simm.s32 $0xB;
	s0 =	simm.s32 $0xF;
	v12 =	vimm.f32 $0.0e+00;
	s13 =	simm.s32 $0xD;
	v9 =	vmov s12;
	v14 =	vld.idx.msk [tilespmem:v11+s2+$0x0], $0xffff;
	v15 =	vor.u32 v1, v5  }
0x1a5: {  	s11 =	simm.s32 $0x8;
	s3 =	simm.s32 $0x17;
	s10 =	simm.s32 $0xA;
	v4 =	vmov s31;
	v3 =	vmov s0;
	v5 =	vmov s13;
	v11 =	vld.idx.msk [tilespmem:v16+s18+$0x0], $0xffff  }
.LBB2_23:
0x1a6: {  	p1 =	sne.s32 s3, $0xC7;
	v16 =	vmov s11;
	s11 =	sadd.s32 $0xFFFFFFFA, s0;
	v17 =	vmov s10;
	v18 =	vmov s9;
	v10 =	vld.idx.msk [tilespmem:v10+s2+$0x0], $0xffff;
	s0 =	smov.u32 s3  }
0x1a7: {  	v21 =	vshll.u32 v5, $0x3;
	v19 =	vshll.u32 v16, $0x3;
	v20 =	vmov s11;
	v13 =	vld.idx.msk [tilespmem:v13+s18+$0x0], $0xffff  }
0x1a8: {  	v22 =	vshll.u32 v9, $0x3;
	v16 =	vand.u32 $0x78, v16;
	v19 =	vand.u32 $0x400, v19;
	v8 =	vld.idx.msk [tilespmem:v8+s2+$0x0], $0xffff  }
0x1a9: {  	v16 =	vor.u32 v19, v16;
	v19 =	vand.u32 $0x79, v20;
	v20 =	vshll.u32 v20, $0x3;
	v15 =	vld.idx.msk [tilespmem:v15+s18+$0x0], $0xffff  }
0x1aa: {  	v12 =	vadd.f32 v14, v12;
	v16 =	vor.u32 v1, v16;
	v20 =	vand.u32 $0x400, v20;
	v7 =	vld.idx.msk [tilespmem:v7+s2+$0x0], $0xffff  }
0x1ab: {  	v14 =	vor.u32 v20, v19;
	v19 =	vand.u32 $0x7A, v17;
	v17 =	vshll.u32 v17, $0x3  }
0x1ac: {  	v10 =	vadd.f32 v10, v12;
	v14 =	vor.u32 v1, v14;
	v17 =	vand.u32 $0x400, v17;
	v6 =	vld.idx.msk [tilespmem:v6+s2+$0x0], $0xffff  }
0x1ad: {  	v12 =	vor.u32 v17, v19;
	v17 =	vand.u32 $0x7B, v18;
	v18 =	vshll.u32 v18, $0x3  }
0x1ae: {  	v8 =	vadd.f32 v8, v10;
	v12 =	vor.u32 v1, v12;
	v18 =	vand.u32 $0x400, v18;
	v11 =	vld.idx.msk [tilespmem:v11+s2+$0x0], $0xffff  }
0x1af: {  	v9 =	vand.u32 $0x7C, v9;
	v16 =	vld.idx.msk [tilespmem:v16+s18+$0x0], $0xffff;
	v10 =	vor.u32 v18, v17;
	v17 =	vand.u32 $0x400, v22  }
0x1b0: {  	v7 =	vadd.f32 v7, v8;
	v18 =	vor.u32 v1, v10;
	v9 =	vor.u32 v17, v9;
	v17 =	vld.idx.msk [tilespmem:v13+s2+$0x0], $0xffff  }
0x1b1: {  	v5 =	vand.u32 $0x7D, v5;
	v8 =	vand.u32 $0x400, v21;
	v10 =	vld.idx.msk [tilespmem:v14+s18+$0x0], $0xffff;
	v9 =	vor.u32 v1, v9  }
0x1b2: {  	v5 =	vor.u32 v8, v5;
	v13 =	vshll.u32 v4, $0x3;
	v6 =	vadd.f32 v6, v7;
	v19 =	vld.idx.msk [tilespmem:v15+s2+$0x0], $0xffff  }
0x1b3: {  	v4 =	vand.u32 $0x7E, v4;
	v8 =	vld.idx.msk [tilespmem:v12+s18+$0x0], $0xffff;
	v12 =	vor.u32 v1, v5;
	v5 =	vand.u32 $0x400, v13  }
.Ltmp11:
0x1b4: {  	v11 =	vadd.f32 v11, v6;
	v4 =	vor.u32 v5, v4;
	v5 =	vshll.u32 v3, $0x3;
	(pc) =	sbr.rel @p1 .LBB2_23-.Ltmp11, $4  }
0x1b5: {  	v3 =	vand.u32 $0x7F, v3;
	v7 =	vld.idx.msk [tilespmem:v18+s18+$0x0], $0xffff;
	v13 =	vor.u32 v1, v4;
	v4 =	vand.u32 $0x400, v5  }
0x1b6: {  	s10 =	sadd.s32 $0xFFFFFFFF, s3;
	v17 =	vadd.f32 v17, v11;
	v6 =	vld.idx.msk [tilespmem:v9+s18+$0x0], $0xffff;
	v5 =	vor.u32 v4, v3  }
0x1b7: {  	s9 =	sadd.s32 $0xFFFFFFFC, s3;
	s12 =	sadd.s32 $0xFFFFFFFD, s3;
	s13 =	sadd.s32 $0xFFFFFFFE, s3;
	v4 =	vmov s10;
	v3 =	vmov s3;
	v14 =	vld.idx.msk [tilespmem:v16+s2+$0x0], $0xffff;
	v15 =	vor.u32 v1, v5  }
0x1b8: {  	s11 =	sadd.s32 $0xFFFFFFF9, s0;
	s10 =	sadd.s32 $0xFFFFFFFB, s0;
	v9 =	vmov s12;
	s3 =	sadd.s32 $0x8, s3;
	v5 =	vmov s13;
	v11 =	vld.idx.msk [tilespmem:v12+s18+$0x0], $0xffff;
	v12 =	vadd.f32 v19, v17  }
0x1b9: {  	_ = 	snop  }
0x1ba: {  	v16 =	vmov s11;
	v17 =	vmov s10  }
0x1bb: {  	s0 =	sadd.s32 $0xFFFFFFFA, s0;
	v18 =	vmov s9;
	v21 =	vshll.u32 v5, $0x3;
	v19 =	vshll.u32 v16, $0x3  }
0x1bc: {  	v20 =	vmov s0;
	v16 =	vand.u32 $0x78, v16;
	v19 =	vand.u32 $0x400, v19  }
0x1bd: {  	v10 =	vld.idx.msk [tilespmem:v10+s2+$0x0], $0xffff;
	v22 =	vshll.u32 v9, $0x3;
	v43 =	vshll.u32 v20, $0x3;
	v16 =	vor.u32 v19, v16  }
0x1be: {  	v13 =	vld.idx.msk [tilespmem:v13+s18+$0x0], $0xffff;
	v20 =	vand.u32 $0x79, v20;
	v19 =	vand.u32 $0x400, v43;
	v16 =	vor.u32 v1, v16  }
0x1bf: {  	v8 =	vld.idx.msk [tilespmem:v8+s2+$0x0], $0xffff;
	v45 =	vshll.u32 v17, $0x3;
	v17 =	vand.u32 $0x7A, v17;
	v44 =	vor.u32 v19, v20  }
0x1c0: {  	v15 =	vld.idx.msk [tilespmem:v15+s18+$0x0], $0xffff;
	v12 =	vadd.f32 v14, v12;
	v19 =	vand.u32 $0x400, v45;
	v14 =	vor.u32 v1, v44  }
0x1c1: {  	v7 =	vld.idx.msk [tilespmem:v7+s2+$0x0], $0xffff;
	v47 =	vshll.u32 v18, $0x3;
	v18 =	vand.u32 $0x7B, v18;
	v46 =	vor.u32 v19, v17  }
0x1c2: {  	v6 =	vld.idx.msk [tilespmem:v6+s2+$0x0], $0xffff;
	v10 =	vadd.f32 v10, v12;
	v17 =	vand.u32 $0x400, v47;
	v12 =	vor.u32 v1, v46  }
0x1c3: {  	v48 =	vand.u32 $0x7C, v9;
	v49 =	vand.u32 $0x400, v22;
	v17 =	vor.u32 v17, v18;
	v16 =	vld.idx.msk [tilespmem:v16+s18+$0x0], $0xffff  }
0x1c4: {  	v9 =	vor.u32 v49, v48;
	v50 =	vld.idx.msk [tilespmem:v11+s2+$0x0], $0xffff;
	v8 =	vadd.f32 v8, v10;
	v51 =	vor.u32 v1, v17  }
0x1c5: {  	v52 =	vand.u32 $0x7D, v5;
	v53 =	vand.u32 $0x400, v21;
	v9 =	vor.u32 v1, v9;
	v14 =	vld.idx.msk [tilespmem:v14+s18+$0x0], $0xffff  }
0x1c6: {  	v55 =	vshll.u32 v4, $0x3;
	v5 =	vor.u32 v53, v52;
	v54 =	vld.idx.msk [tilespmem:v13+s2+$0x0], $0xffff;
	v7 =	vadd.f32 v7, v8  }
0x1c7: {  	v56 =	vand.u32 $0x7E, v4;
	v5 =	vor.u32 v1, v5;
	v13 =	vand.u32 $0x400, v55;
	v12 =	vld.idx.msk [tilespmem:v12+s18+$0x0], $0xffff  }
0x1c8: {  	v58 =	vshll.u32 v3, $0x3;
	v57 =	vld.idx.msk [tilespmem:v15+s2+$0x0], $0xffff;
	v4 =	vor.u32 v13, v56;
	v6 =	vadd.f32 v6, v7  }
0x1c9: {  	v3 =	vand.u32 $0x7F, v3;
	v13 =	vand.u32 $0x400, v58;
	v4 =	vor.u32 v1, v4;
	v11 =	vld.idx.msk [tilespmem:v51+s18+$0x0], $0xffff  }
0x1ca: {  	v9 =	vld.idx.msk [tilespmem:v9+s18+$0x0], $0xffff;
	v3 =	vor.u32 v13, v3;
	v6 =	vadd.f32 v50, v6  }
0x1cb: {  	v3 =	vor.u32 v1, v3;
	v59 =	vld.idx.msk [tilespmem:v16+s2+$0x0], $0xffff  }
0x1cc: {  	v5 =	vld.idx.msk [tilespmem:v5+s18+$0x0], $0xffff;
	v6 =	vadd.f32 v54, v6  }
0x1cd: {  	v60 =	vld.idx.msk [tilespmem:v14+s2+$0x0], $0xffff  }
0x1ce: {  	v4 =	vld.idx.msk [tilespmem:v4+s18+$0x0], $0xffff;
	v6 =	vadd.f32 v57, v6  }
0x1cf: {  	v61 =	vld.idx.msk [tilespmem:v12+s2+$0x0], $0xffff  }
0x1d0: {  	v3 =	vld.idx.msk [tilespmem:v3+s18+$0x0], $0xffff;
	v6 =	vadd.f32 v59, v6  }
0x1d1: {  	v62 =	vld.idx.msk [tilespmem:v11+s2+$0x0], $0xffff  }
0x1d2: {  	v6 =	vadd.f32 v60, v6  }
0x1d3: {  	v63 =	vld.idx.msk [tilespmem:v9+s2+$0x0], $0xffff  }
0x1d4: {  	v6 =	vadd.f32 v61, v6  }
0x1d5: {  	v5 =	vld.idx.msk [tilespmem:v5+s2+$0x0], $0xffff  }
0x1d6: {  	v6 =	vadd.f32 v62, v6  }
0x1d7: {  	v4 =	vld.idx.msk [tilespmem:v4+s2+$0x0], $0xffff  }
0x1d8: {  	v6 =	vadd.f32 v63, v6  }
0x1d9: {  	v3 =	vld.idx.msk [tilespmem:v3+s2+$0x0], $0xffff  }
0x1da: {  	v5 =	vadd.f32 v5, v6;
	_ =	sdelay $0x1  }
0x1db: {  	v4 =	vadd.f32 v4, v5;
	_ =	sdelay $0x1  }
0x1dc: {  	s29 =	sadd.s32 $0x1, s29;
	v3 =	vadd.f32 v3, v4  }
0x1dd: {  	p1 =	sne.s32 s29, s17  }
.Ltmp12:
0x1de: {  	s31 =	simm.s32 $0x1DD00;
	[tilespmem:$0x1DEF0] =	vst v3;
	(pc) =	sbr.rel @p1 .LBB2_1-.Ltmp12, $4  }
0x1df: {  	[hbm4b:s16+s2] =	stream.linear.scatter [tilespmem:s31], [sflag:$0x4], $0x200, $0x38;
	[tilespmem:$0x1F780] =	vst v63  }
0x1e0: {  	_ =	swait.ge [sflag:s20], $0x200  }
0x1e1: {  	[sflag:s20] =	ssyncset.done $0x0  }
0x1e2: {  	[sflag:s20] =	ssyncadd.s32 $0xFFFFFE00  }
0x1e3: {  	_ =	sfence.sel $0x180000  }
0x1e4: {  	[bflag:$0x0] =	sbarrier.arrive $0xFFFF  }
0x1e5: {  	_ =	strace $0x90000047  }
0x1e6: {  	s0 =	stileid.u32;
	[bflag:$0x2] =	sbarrier.arrive $0xFFFF  }
0x1e7: {  	p0 =	sne.s32 s0, $0x0;
	s0 =	rddreg [dreg:$0x4]  }
0x1e8: {  	s0 =	sadd.s32 @!p0 $0x100000, s0  }
0x1e9: {  	[sflag:s0] =	ssyncadd.tile.s32 @!p0 $0x1;
	_ =	shalt  }
.Lfunc_end2:
_tile_overlayer_lowered:
.L_overlay_start_2:
0x1ea: {  	(tag) =	ssettag $0x2  }
0x1eb: {  	s0 =	rddreg [dreg:$0x0];
	s2 =	stileid.u32  }
0x1ec: {  	s1 =	rddreg [dreg:$0x1];
	p0 =	sne.s32 s2, $0x0  }
0x1ed: {  	s3 =	rddreg [dreg:$0x2];
	[bflag:$0x3] =	sbarrier.arrive $0xFFFF;
	s2 =	simm.s32 @!p0 $0x1C04  }
0x1ee: {  	[timem:s3], [sflag:s2] =	dma.local @!p0 [hbm:s0], s1  }
0x1ef: {  	s0 =	simm.s32 @!p0 $0x4  }
0x1f0: {  	_ =	swait.ge @!p0 [sflag:s0], s1  }
0x1f1: {  	s1 =	ssub.s32 @!p0 $0x0, s1;
	[sflag:s0] =	ssyncset.done @!p0 $0x0  }
0x1f2: {  	[sflag:s0] =	ssyncadd.s32 @!p0 s1  }
0x1f3: {  	[bflag:$0x3] =	sbarrier.arrive $0xFFFF  }
0x1f4: {  	_ =	shalt  }

</sc_bundles>
